<compile_context>
chip_gen: v7x
topology: tpu7x:2x2x1
jax: 0.10.2.dev20260603
libtpu: 0.0.44.dev20260713+nightly
codegen_flags: <defaults>
</compile_context>

<pallas_src>
import functools

import jax
import jax.numpy as jnp
from jax import lax
from jax.experimental import pallas as pl
from jax.experimental.pallas import tpu as pltpu
from jax.experimental.pallas import tpu_sc as plsc

NC = 2
NS = 16
NW = NC * NS
L = 16

VOCAB = 100000
HID = 128
B = 1024
S = 200
HC = HID // L
K = 128
TOK_PER_W = B * S // NW
CH = TOK_PER_W // K
NB = 2
UNROLL = 2
SB = 320
EPS = 1e-12

_MESH = plsc.VectorSubcoreMesh(
    core_axis_name="c", subcore_axis_name="s", num_cores=NC, num_subcores=NS
)


@functools.partial(
    pl.kernel,
    mesh=_MESH,
    compiler_params=pltpu.CompilerParams(needs_layout_passes=False),
    out_type=jax.ShapeDtypeStruct((B * S, HID), jnp.float32),
    scratch_types=(
        [pltpu.VMEM((CH, K), jnp.int32)]
        + [pltpu.VMEM((K, HID), jnp.float32)] * NB
        + [pltpu.VMEM((K, HID), jnp.float32)] * NB
        + [
            pltpu.VMEM((SB, HID), jnp.float32),
            pltpu.VMEM((HID,), jnp.float32),
            pltpu.VMEM((HID,), jnp.float32),
            pltpu.VMEM((HID,), jnp.float32),
        ]
        + [pltpu.SemaphoreType.DMA] * (2 * NB)
    ),
)
def _embed_ln(ids_hbm, pe_hbm, tte_hbm, gam_hbm, bet_hbm, table_hbm, out_hbm,
              idx_v, *rest):
    rows = rest[0:NB]
    outb = rest[NB:2 * NB]
    bias_v, tte_v, gam_v, bet_v = rest[2 * NB:2 * NB + 4]
    gsem = rest[2 * NB + 4:3 * NB + 4]
    ssem = rest[3 * NB + 4:4 * NB + 4]
    wid = lax.axis_index("s") * NC + lax.axis_index("c")

    pltpu.sync_copy(pe_hbm, bias_v.at[pl.ds(0, S)])
    pltpu.sync_copy(pe_hbm.at[pl.ds(0, SB - S)], bias_v.at[pl.ds(S, SB - S)])
    pltpu.sync_copy(tte_hbm, tte_v)
    pltpu.sync_copy(gam_hbm, gam_v)
    pltpu.sync_copy(bet_hbm, bet_v)
    pltpu.sync_copy(ids_hbm.at[wid], idx_v)

    ttec = [tte_v[pl.ds(c * L, L)] for c in range(HC)]

    def bias_body(t, carry):
        for c in range(HC):
            bias_v[t, pl.ds(c * L, L)] = bias_v[t, pl.ds(c * L, L)] + ttec[c]
        return carry

    lax.fori_loop(0, SB, bias_body, 0)

    gam = [gam_v[pl.ds(c * L, L)] for c in range(HC)]
    bet = [bet_v[pl.ds(c * L, L)] for c in range(HC)]
    base = wid * TOK_PER_W

    lane = lax.iota(jnp.int32, L)
    dnums = lax.GatherDimensionNumbers(
        offset_dims=(), collapsed_slice_dims=(0,), start_index_map=(0,))

    def _permute(v, perm):
        return lax.gather(
            v, perm[:, None], dnums, slice_sizes=(1,),
            mode=lax.GatherScatterMode.PROMISE_IN_BOUNDS)

    def xlane_sum(v):
        for sh in (8, 4, 2, 1):
            v = v + _permute(v, lax.bitwise_xor(lane, jnp.int32(sh)))
        return v

    for b in range(NB):
        pltpu.async_copy(table_hbm.at[idx_v.at[b]], rows[b], gsem[b])

    def pair_body(jj, carry):
        for b in range(NB):
            j = jj * NB + b
            rows_b, outb_b, gsem_b, ssem_b = rows[b], outb[b], gsem[b], ssem[b]
            pltpu.make_async_copy(
                table_hbm.at[pl.ds(0, K)], rows_b, gsem_b).wait()

            @pl.when(jj > 0)
            def _():
                pltpu.make_async_copy(
                    outb_b, out_hbm.at[pl.ds(0, K)], ssem_b).wait()

            poff = lax.rem(j * K, S)

            def ln_token(t):
                xs = []
                for c in range(HC):
                    xs.append(rows_b[t, pl.ds(c * L, L)]
                              + bias_v[poff + t, pl.ds(c * L, L)])
                s1 = xs[0]
                s2 = xs[0] * xs[0]
                for c in range(1, HC):
                    s1 = s1 + xs[c]
                    s2 = s2 + xs[c] * xs[c]
                tot = xlane_sum(s1)
                tot2 = xlane_sum(s2)
                mean = tot * (1.0 / HID)
                var = tot2 * (1.0 / HID) - mean * mean + EPS
                i = plsc.bitcast(var, jnp.int32)
                i = jnp.int32(0x5F3759DF) - lax.shift_right_logical(i, 1)
                y = plsc.bitcast(i, jnp.float32)
                half = var * 0.5
                y = y * (1.5 - half * y * y)
                for c in range(HC):
                    a = gam[c] * y
                    outb_b[t, pl.ds(c * L, L)] = (xs[c] - mean) * a + bet[c]

            @plsc.parallel_loop(0, K, 1, unroll=UNROLL)
            def _(t):
                ln_token(t)

            @pl.when(j + NB < CH)
            def _():
                pltpu.async_copy(
                    table_hbm.at[idx_v.at[j + NB]], rows_b, gsem_b)

            pltpu.async_copy(
                outb_b, out_hbm.at[pl.ds(base + j * K, K)], ssem_b)
        return carry

    lax.fori_loop(0, CH // NB, pair_body, 0)

    for b in range(NB):
        pltpu.make_async_copy(
            outb[b], out_hbm.at[pl.ds(0, K)], ssem[b]).wait()


def kernel(input_ids, word_embeddings, position_embeddings,
           token_type_embeddings, ln_gamma, ln_beta):
    b, s = input_ids.shape
    _, h = word_embeddings.shape
    ids3 = input_ids.reshape(NW, CH, K)
    pe = position_embeddings[:s]
    tte0 = token_type_embeddings[0]
    out = _embed_ln(ids3, pe, tte0, ln_gamma, ln_beta, word_embeddings)
    return out.reshape(b, s, h)

# --- scband reference (transcript-rebuilt; emitter-appended) ---
"""Pipeline reference for scband-bert-embeddings-8169027797085 (READ-ONLY COPY).

The authoritative reference and input builder live on the scoring server;
editing this copy changes nothing except your own understanding.
"""

import jax, jax.numpy as jnp
import numpy as np

VOCAB = 100000
HID = 128
B = 1024
S = 200
MAXPOS = 512
TYPES = 2
EPS = 1e-12


def setup_inputs(seed: int = 0) -> dict:
    key = jax.random.key(seed)
    k1, k2, k3, k4 = jax.random.split(key, 4)
    input_ids = jax.random.randint(k1, (B, S), 0, VOCAB).astype(jnp.int32)
    word_embeddings = jax.random.normal(k2, (VOCAB, HID), dtype=jnp.float32) * 0.02
    position_embeddings = jax.random.normal(k3, (MAXPOS, HID), dtype=jnp.float32) * 0.02
    token_type_embeddings = jax.random.normal(k4, (TYPES, HID), dtype=jnp.float32) * 0.02
    ln_gamma = jnp.ones((HID,), dtype=jnp.float32)
    ln_beta = jnp.zeros((HID,), dtype=jnp.float32)
    return {
        "input_ids": input_ids,
        "word_embeddings": word_embeddings,
        "position_embeddings": position_embeddings,
        "token_type_embeddings": token_type_embeddings,
        "ln_gamma": ln_gamma,
        "ln_beta": ln_beta,
    }


def reference(input_ids, word_embeddings, position_embeddings, token_type_embeddings, ln_gamma, ln_beta):
    b, s = input_ids.shape
    # word embedding gather
    inputs_embeds = jnp.take(word_embeddings, input_ids, axis=0)
    # buffered token_type_ids are zeros -> gather row 0 broadcast over [B, S]
    token_type_ids = jnp.zeros((b, s), dtype=jnp.int32)
    tte = jnp.take(token_type_embeddings, token_type_ids, axis=0)
    embeddings = inputs_embeds + tte
    # absolute position embeddings: positions 0..s-1, broadcast over batch
    pe = position_embeddings[:s][None, :, :]
    embeddings = embeddings + pe
    # LayerNorm over last dim
    mean = jnp.mean(embeddings, axis=-1, keepdims=True)
    var = jnp.mean(jnp.square(embeddings - mean), axis=-1, keepdims=True)
    normed = (embeddings - mean) / jnp.sqrt(var + EPS)
    out = normed * ln_gamma + ln_beta
    # dropout is identity in eval / p=0.0
    return out

if __name__ == "__main__":
    import jax
    _d = setup_inputs()
    print(jax.jit(kernel)(*tuple(_d.values())))

</pallas_src>

<mosaic_0001>
#map = affine_map<(d0, d1) -> (0, 0, 0)>
#map1 = affine_map<(d0, d1) -> (0, 0)>
#map2 = affine_map<(d0, d1) -> (0)>
module attributes {stable_mosaic.version = 14 : i64} {
  func.func @_embed_ln(%arg0: i32, %arg1: i32, %arg2: memref<32x50x128xi32, #tpu.memory_space<hbm>>, %arg3: memref<200x128xf32, #tpu.memory_space<hbm>>, %arg4: memref<128xf32, #tpu.memory_space<hbm>>, %arg5: memref<128xf32, #tpu.memory_space<hbm>>, %arg6: memref<128xf32, #tpu.memory_space<hbm>>, %arg7: memref<100000x128xf32, #tpu.memory_space<hbm>>, %arg8: memref<204800x128xf32, #tpu.memory_space<hbm>>, %arg9: memref<50x128xi32, #tpu.memory_space<vmem>>, %arg10: memref<128x128xf32, #tpu.memory_space<vmem>>, %arg11: memref<128x128xf32, #tpu.memory_space<vmem>>, %arg12: memref<128x128xf32, #tpu.memory_space<vmem>>, %arg13: memref<128x128xf32, #tpu.memory_space<vmem>>, %arg14: memref<320x128xf32, #tpu.memory_space<vmem>>, %arg15: memref<128xf32, #tpu.memory_space<vmem>>, %arg16: memref<128xf32, #tpu.memory_space<vmem>>, %arg17: memref<128xf32, #tpu.memory_space<vmem>>, %arg18: memref<!tpu.dma_semaphore, #tpu.memory_space<semaphore_mem>>, %arg19: memref<!tpu.dma_semaphore, #tpu.memory_space<semaphore_mem>>, %arg20: memref<!tpu.dma_semaphore, #tpu.memory_space<semaphore_mem>>, %arg21: memref<!tpu.dma_semaphore, #tpu.memory_space<semaphore_mem>>) attributes {dimension_semantics = [#tpu.dimension_semantics<core_parallel>, #tpu.dimension_semantics<subcore_parallel>], iteration_bounds = array<i64: 2, 16>, scalar_prefetch = 0 : i64, scratch_operands = 13 : i64, tpu.core_type = #tpu.core_type<sc_vector_subcore>, window_params = [{transform_indices = #map}, {transform_indices = #map1}, {transform_indices = #map2}, {transform_indices = #map2}, {transform_indices = #map2}, {transform_indices = #map1}, {transform_indices = #map1}]} {
    %mul3A = arith.constant 2 : i32
    %mul3A_0 = arith.muli %arg1, %mul3A : i32
    %add3A = arith.addi %mul3A_0, %arg0 : i32
    "tpu.region"() ({
      %run_scoped3A = tpu.sem_alloc : memref<!tpu.dma_semaphore, #tpu.memory_space<semaphore_mem>>
      %dma_start3A_85 = arith.constant 0 : i32
      %dma_start3A_86 = arith.constant 0 : i32
      %dma_start3A_87 = tpu.memref_slice %arg14[%dma_start3A_85, %dma_start3A_86] : memref<320x128xf32, #tpu.memory_space<vmem>> -> memref<200x128xf32, #tpu.memory_space<vmem>>
      %dma_start3A_88 = arith.constant 0 : i32
      %dma_start3A_89 = arith.constant 0 : i32
      %dma_start3A_90 = tpu.memref_slice %arg14[%dma_start3A_88, %dma_start3A_89] : memref<320x128xf32, #tpu.memory_space<vmem>> -> memref<200x128xf32, #tpu.memory_space<vmem>>
      tpu.enqueue_dma source(%arg3 : memref<200x128xf32, #tpu.memory_space<hbm>>) target(%dma_start3A_90 : memref<200x128xf32, #tpu.memory_space<vmem>>) target_semaphore(%run_scoped3A : memref<!tpu.dma_semaphore, #tpu.memory_space<semaphore_mem>>)
      %dma_wait3A_91 = arith.constant 0 : i32
      %dma_wait3A_92 = arith.constant 0 : i32
      %dma_wait3A_93 = tpu.memref_slice %arg14[%dma_wait3A_91, %dma_wait3A_92] : memref<320x128xf32, #tpu.memory_space<vmem>> -> memref<200x128xf32, #tpu.memory_space<vmem>>
      %dma_wait3A_94 = arith.constant 0 : i32
      %dma_wait3A_95 = arith.constant 0 : i32
      %dma_wait3A_96 = tpu.memref_slice %arg14[%dma_wait3A_94, %dma_wait3A_95] : memref<320x128xf32, #tpu.memory_space<vmem>> -> memref<200x128xf32, #tpu.memory_space<vmem>>
      tpu.wait_dma2 semaphore(%run_scoped3A : memref<!tpu.dma_semaphore, #tpu.memory_space<semaphore_mem>>) src(%arg3 : memref<200x128xf32, #tpu.memory_space<hbm>>) dst(%dma_wait3A_96 : memref<200x128xf32, #tpu.memory_space<vmem>>)
      tpu.yield
    }) : () -> ()
    "tpu.region"() ({
      %run_scoped3A = tpu.sem_alloc : memref<!tpu.dma_semaphore, #tpu.memory_space<semaphore_mem>>
      %dma_start3A_85 = arith.constant 200 : i32
      %dma_start3A_86 = arith.constant 0 : i32
      %dma_start3A_87 = tpu.memref_slice %arg14[%dma_start3A_85, %dma_start3A_86] : memref<320x128xf32, #tpu.memory_space<vmem>> -> memref<120x128xf32, #tpu.memory_space<vmem>>
      %dma_start3A_88 = arith.constant 0 : i32
      %dma_start3A_89 = arith.constant 0 : i32
      %dma_start3A_90 = tpu.memref_slice %arg3[%dma_start3A_88, %dma_start3A_89] : memref<200x128xf32, #tpu.memory_space<hbm>> -> memref<120x128xf32, #tpu.memory_space<hbm>>
      %dma_start3A_91 = arith.constant 200 : i32
      %dma_start3A_92 = arith.constant 0 : i32
      %dma_start3A_93 = tpu.memref_slice %arg14[%dma_start3A_91, %dma_start3A_92] : memref<320x128xf32, #tpu.memory_space<vmem>> -> memref<120x128xf32, #tpu.memory_space<vmem>>
      %dma_start3A_94 = arith.constant 0 : i32
      %dma_start3A_95 = arith.constant 0 : i32
      %dma_start3A_96 = tpu.memref_slice %arg3[%dma_start3A_94, %dma_start3A_95] : memref<200x128xf32, #tpu.memory_space<hbm>> -> memref<120x128xf32, #tpu.memory_space<hbm>>
      tpu.enqueue_dma source(%dma_start3A_96 : memref<120x128xf32, #tpu.memory_space<hbm>>) target(%dma_start3A_93 : memref<120x128xf32, #tpu.memory_space<vmem>>) target_semaphore(%run_scoped3A : memref<!tpu.dma_semaphore, #tpu.memory_space<semaphore_mem>>)
      %dma_wait3A_97 = arith.constant 200 : i32
      %dma_wait3A_98 = arith.constant 0 : i32
      %dma_wait3A_99 = tpu.memref_slice %arg14[%dma_wait3A_97, %dma_wait3A_98] : memref<320x128xf32, #tpu.memory_space<vmem>> -> memref<120x128xf32, #tpu.memory_space<vmem>>
      %dma_wait3A_100 = arith.constant 0 : i32
      %dma_wait3A_101 = arith.constant 0 : i32
      %dma_wait3A_102 = tpu.memref_slice %arg3[%dma_wait3A_100, %dma_wait3A_101] : memref<200x128xf32, #tpu.memory_space<hbm>> -> memref<120x128xf32, #tpu.memory_space<hbm>>
      %dma_wait3A_103 = arith.constant 200 : i32
      %dma_wait3A_104 = arith.constant 0 : i32
      %dma_wait3A_105 = tpu.memref_slice %arg14[%dma_wait3A_103, %dma_wait3A_104] : memref<320x128xf32, #tpu.memory_space<vmem>> -> memref<120x128xf32, #tpu.memory_space<vmem>>
      %dma_wait3A_106 = arith.constant 0 : i32
      %dma_wait3A_107 = arith.constant 0 : i32
      %dma_wait3A_108 = tpu.memref_slice %arg3[%dma_wait3A_106, %dma_wait3A_107] : memref<200x128xf32, #tpu.memory_space<hbm>> -> memref<120x128xf32, #tpu.memory_space<hbm>>
      tpu.wait_dma2 semaphore(%run_scoped3A : memref<!tpu.dma_semaphore, #tpu.memory_space<semaphore_mem>>) src(%dma_wait3A_108 : memref<120x128xf32, #tpu.memory_space<hbm>>) dst(%dma_wait3A_105 : memref<120x128xf32, #tpu.memory_space<vmem>>)
      tpu.yield
    }) : () -> ()
    "tpu.region"() ({
      %run_scoped3A = tpu.sem_alloc : memref<!tpu.dma_semaphore, #tpu.memory_space<semaphore_mem>>
      tpu.enqueue_dma source(%arg4 : memref<128xf32, #tpu.memory_space<hbm>>) target(%arg15 : memref<128xf32, #tpu.memory_space<vmem>>) target_semaphore(%run_scoped3A : memref<!tpu.dma_semaphore, #tpu.memory_space<semaphore_mem>>)
      tpu.wait_dma2 semaphore(%run_scoped3A : memref<!tpu.dma_semaphore, #tpu.memory_space<semaphore_mem>>) src(%arg4 : memref<128xf32, #tpu.memory_space<hbm>>) dst(%arg15 : memref<128xf32, #tpu.memory_space<vmem>>)
      tpu.yield
    }) : () -> ()
    "tpu.region"() ({
      %run_scoped3A = tpu.sem_alloc : memref<!tpu.dma_semaphore, #tpu.memory_space<semaphore_mem>>
      tpu.enqueue_dma source(%arg5 : memref<128xf32, #tpu.memory_space<hbm>>) target(%arg16 : memref<128xf32, #tpu.memory_space<vmem>>) target_semaphore(%run_scoped3A : memref<!tpu.dma_semaphore, #tpu.memory_space<semaphore_mem>>)
      tpu.wait_dma2 semaphore(%run_scoped3A : memref<!tpu.dma_semaphore, #tpu.memory_space<semaphore_mem>>) src(%arg5 : memref<128xf32, #tpu.memory_space<hbm>>) dst(%arg16 : memref<128xf32, #tpu.memory_space<vmem>>)
      tpu.yield
    }) : () -> ()
    "tpu.region"() ({
      %run_scoped3A = tpu.sem_alloc : memref<!tpu.dma_semaphore, #tpu.memory_space<semaphore_mem>>
      tpu.enqueue_dma source(%arg6 : memref<128xf32, #tpu.memory_space<hbm>>) target(%arg17 : memref<128xf32, #tpu.memory_space<vmem>>) target_semaphore(%run_scoped3A : memref<!tpu.dma_semaphore, #tpu.memory_space<semaphore_mem>>)
      tpu.wait_dma2 semaphore(%run_scoped3A : memref<!tpu.dma_semaphore, #tpu.memory_space<semaphore_mem>>) src(%arg6 : memref<128xf32, #tpu.memory_space<hbm>>) dst(%arg17 : memref<128xf32, #tpu.memory_space<vmem>>)
      tpu.yield
    }) : () -> ()
    "tpu.region"() ({
      %run_scoped3A = tpu.sem_alloc : memref<!tpu.dma_semaphore, #tpu.memory_space<semaphore_mem>>
      %dma_start3A_85 = arith.constant 0 : i32
      %dma_start3A_86 = arith.constant 0 : i32
      %dma_start3A_87 = tpu.memref_slice %arg2[%add3A, %dma_start3A_85, %dma_start3A_86] : memref<32x50x128xi32, #tpu.memory_space<hbm>> -> memref<1x50x128xi32, #tpu.memory_space<hbm>>
      %dma_start3A_88 = tpu.memref_squeeze %dma_start3A_87 : memref<1x50x128xi32, #tpu.memory_space<hbm>> -> memref<50x128xi32, #tpu.memory_space<hbm>>
      %dma_start3A_89 = arith.constant 0 : i32
      %dma_start3A_90 = arith.constant 0 : i32
      %dma_start3A_91 = tpu.memref_slice %arg2[%add3A, %dma_start3A_89, %dma_start3A_90] : memref<32x50x128xi32, #tpu.memory_space<hbm>> -> memref<1x50x128xi32, #tpu.memory_space<hbm>>
      %dma_start3A_92 = tpu.memref_squeeze %dma_start3A_91 : memref<1x50x128xi32, #tpu.memory_space<hbm>> -> memref<50x128xi32, #tpu.memory_space<hbm>>
      tpu.enqueue_dma source(%dma_start3A_92 : memref<50x128xi32, #tpu.memory_space<hbm>>) target(%arg9 : memref<50x128xi32, #tpu.memory_space<vmem>>) target_semaphore(%run_scoped3A : memref<!tpu.dma_semaphore, #tpu.memory_space<semaphore_mem>>)
      %dma_wait3A_93 = arith.constant 0 : i32
      %dma_wait3A_94 = arith.constant 0 : i32
      %dma_wait3A_95 = tpu.memref_slice %arg2[%add3A, %dma_wait3A_93, %dma_wait3A_94] : memref<32x50x128xi32, #tpu.memory_space<hbm>> -> memref<1x50x128xi32, #tpu.memory_space<hbm>>
      %dma_wait3A_96 = tpu.memref_squeeze %dma_wait3A_95 : memref<1x50x128xi32, #tpu.memory_space<hbm>> -> memref<50x128xi32, #tpu.memory_space<hbm>>
      %dma_wait3A_97 = arith.constant 0 : i32
      %dma_wait3A_98 = arith.constant 0 : i32
      %dma_wait3A_99 = tpu.memref_slice %arg2[%add3A, %dma_wait3A_97, %dma_wait3A_98] : memref<32x50x128xi32, #tpu.memory_space<hbm>> -> memref<1x50x128xi32, #tpu.memory_space<hbm>>
      %dma_wait3A_100 = tpu.memref_squeeze %dma_wait3A_99 : memref<1x50x128xi32, #tpu.memory_space<hbm>> -> memref<50x128xi32, #tpu.memory_space<hbm>>
      tpu.wait_dma2 semaphore(%run_scoped3A : memref<!tpu.dma_semaphore, #tpu.memory_space<semaphore_mem>>) src(%dma_wait3A_100 : memref<50x128xi32, #tpu.memory_space<hbm>>) dst(%arg9 : memref<50x128xi32, #tpu.memory_space<vmem>>)
      tpu.yield
    }) : () -> ()
    %get3A = arith.constant 0 : index
    %get3A_1 = tpu.vector_load %arg15[%get3A] {strides = array<i32>} : memref<128xf32, #tpu.memory_space<vmem>>, vector<16xf32>,
    %get3A_2 = arith.constant 16 : index
    %get3A_3 = tpu.vector_load %arg15[%get3A_2] {strides = array<i32>} : memref<128xf32, #tpu.memory_space<vmem>>, vector<16xf32>,
    %get3A_4 = arith.constant 32 : index
    %get3A_5 = tpu.vector_load %arg15[%get3A_4] {strides = array<i32>} : memref<128xf32, #tpu.memory_space<vmem>>, vector<16xf32>,
    %get3A_6 = arith.constant 48 : index
    %get3A_7 = tpu.vector_load %arg15[%get3A_6] {strides = array<i32>} : memref<128xf32, #tpu.memory_space<vmem>>, vector<16xf32>,
    %get3A_8 = arith.constant 64 : index
    %get3A_9 = tpu.vector_load %arg15[%get3A_8] {strides = array<i32>} : memref<128xf32, #tpu.memory_space<vmem>>, vector<16xf32>,
    %get3A_10 = arith.constant 80 : index
    %get3A_11 = tpu.vector_load %arg15[%get3A_10] {strides = array<i32>} : memref<128xf32, #tpu.memory_space<vmem>>, vector<16xf32>,
    %get3A_12 = arith.constant 96 : index
    %get3A_13 = tpu.vector_load %arg15[%get3A_12] {strides = array<i32>} : memref<128xf32, #tpu.memory_space<vmem>>, vector<16xf32>,
    %get3A_14 = arith.constant 112 : index
    %get3A_15 = tpu.vector_load %arg15[%get3A_14] {strides = array<i32>} : memref<128xf32, #tpu.memory_space<vmem>>, vector<16xf32>,
    %scan3A = arith.constant 0 : i32
    %scan3A_16 = arith.constant 0 : i32
    %scan3A_17 = arith.constant 320 : i32
    %scan3A_18 = arith.addi %scan3A_16, %scan3A_17 : i32
    %scan3A_19 = arith.constant 1 : i32
    scf.for %scan3A_85 = %scan3A_16 to %scan3A_18 step %scan3A_19  : i32 {
      %get3A_86 = arith.index_cast %scan3A_85 : i32 to index
      %get3A_87 = arith.constant 0 : index
      %get3A_88 = tpu.vector_load %arg14[%get3A_86, %get3A_87] {strides = array<i32>} : memref<320x128xf32, #tpu.memory_space<vmem>>, vector<16xf32>,
      %add3A_89 = arith.addf %get3A_88, %get3A_1 : vector<16xf32>
      %swap3A = arith.index_cast %scan3A_85 : i32 to index
      %swap3A_90 = arith.constant 0 : index
      %swap3A_91 = tpu.vector_load %arg14[%swap3A, %swap3A_90] {strides = array<i32>} : memref<320x128xf32, #tpu.memory_space<vmem>>, vector<16xf32>,
      tpu.vector_store %arg14[%swap3A, %swap3A_90], %add3A_89 {strides = array<i32>} : memref<320x128xf32, #tpu.memory_space<vmem>>, vector<16xf32>,
      %get3A_92 = arith.index_cast %scan3A_85 : i32 to index
      %get3A_93 = arith.constant 16 : index
      %get3A_94 = tpu.vector_load %arg14[%get3A_92, %get3A_93] {strides = array<i32>} : memref<320x128xf32, #tpu.memory_space<vmem>>, vector<16xf32>,
      %add3A_95 = arith.addf %get3A_94, %get3A_3 : vector<16xf32>
      %swap3A_96 = arith.index_cast %scan3A_85 : i32 to index
      %swap3A_97 = arith.constant 16 : index
      %swap3A_98 = tpu.vector_load %arg14[%swap3A_96, %swap3A_97] {strides = array<i32>} : memref<320x128xf32, #tpu.memory_space<vmem>>, vector<16xf32>,
      tpu.vector_store %arg14[%swap3A_96, %swap3A_97], %add3A_95 {strides = array<i32>} : memref<320x128xf32, #tpu.memory_space<vmem>>, vector<16xf32>,
      %get3A_99 = arith.index_cast %scan3A_85 : i32 to index
      %get3A_100 = arith.constant 32 : index
      %get3A_101 = tpu.vector_load %arg14[%get3A_99, %get3A_100] {strides = array<i32>} : memref<320x128xf32, #tpu.memory_space<vmem>>, vector<16xf32>,
      %add3A_102 = arith.addf %get3A_101, %get3A_5 : vector<16xf32>
      %swap3A_103 = arith.index_cast %scan3A_85 : i32 to index
      %swap3A_104 = arith.constant 32 : index
      %swap3A_105 = tpu.vector_load %arg14[%swap3A_103, %swap3A_104] {strides = array<i32>} : memref<320x128xf32, #tpu.memory_space<vmem>>, vector<16xf32>,
      tpu.vector_store %arg14[%swap3A_103, %swap3A_104], %add3A_102 {strides = array<i32>} : memref<320x128xf32, #tpu.memory_space<vmem>>, vector<16xf32>,
      %get3A_106 = arith.index_cast %scan3A_85 : i32 to index
      %get3A_107 = arith.constant 48 : index
      %get3A_108 = tpu.vector_load %arg14[%get3A_106, %get3A_107] {strides = array<i32>} : memref<320x128xf32, #tpu.memory_space<vmem>>, vector<16xf32>,
      %add3A_109 = arith.addf %get3A_108, %get3A_7 : vector<16xf32>
      %swap3A_110 = arith.index_cast %scan3A_85 : i32 to index
      %swap3A_111 = arith.constant 48 : index
      %swap3A_112 = tpu.vector_load %arg14[%swap3A_110, %swap3A_111] {strides = array<i32>} : memref<320x128xf32, #tpu.memory_space<vmem>>, vector<16xf32>,
      tpu.vector_store %arg14[%swap3A_110, %swap3A_111], %add3A_109 {strides = array<i32>} : memref<320x128xf32, #tpu.memory_space<vmem>>, vector<16xf32>,
      %get3A_113 = arith.index_cast %scan3A_85 : i32 to index
      %get3A_114 = arith.constant 64 : index
      %get3A_115 = tpu.vector_load %arg14[%get3A_113, %get3A_114] {strides = array<i32>} : memref<320x128xf32, #tpu.memory_space<vmem>>, vector<16xf32>,
      %add3A_116 = arith.addf %get3A_115, %get3A_9 : vector<16xf32>
      %swap3A_117 = arith.index_cast %scan3A_85 : i32 to index
      %swap3A_118 = arith.constant 64 : index
      %swap3A_119 = tpu.vector_load %arg14[%swap3A_117, %swap3A_118] {strides = array<i32>} : memref<320x128xf32, #tpu.memory_space<vmem>>, vector<16xf32>,
      tpu.vector_store %arg14[%swap3A_117, %swap3A_118], %add3A_116 {strides = array<i32>} : memref<320x128xf32, #tpu.memory_space<vmem>>, vector<16xf32>,
      %get3A_120 = arith.index_cast %scan3A_85 : i32 to index
      %get3A_121 = arith.constant 80 : index
      %get3A_122 = tpu.vector_load %arg14[%get3A_120, %get3A_121] {strides = array<i32>} : memref<320x128xf32, #tpu.memory_space<vmem>>, vector<16xf32>,
      %add3A_123 = arith.addf %get3A_122, %get3A_11 : vector<16xf32>
      %swap3A_124 = arith.index_cast %scan3A_85 : i32 to index
      %swap3A_125 = arith.constant 80 : index
      %swap3A_126 = tpu.vector_load %arg14[%swap3A_124, %swap3A_125] {strides = array<i32>} : memref<320x128xf32, #tpu.memory_space<vmem>>, vector<16xf32>,
      tpu.vector_store %arg14[%swap3A_124, %swap3A_125], %add3A_123 {strides = array<i32>} : memref<320x128xf32, #tpu.memory_space<vmem>>, vector<16xf32>,
      %get3A_127 = arith.index_cast %scan3A_85 : i32 to index
      %get3A_128 = arith.constant 96 : index
      %get3A_129 = tpu.vector_load %arg14[%get3A_127, %get3A_128] {strides = array<i32>} : memref<320x128xf32, #tpu.memory_space<vmem>>, vector<16xf32>,
      %add3A_130 = arith.addf %get3A_129, %get3A_13 : vector<16xf32>
      %swap3A_131 = arith.index_cast %scan3A_85 : i32 to index
      %swap3A_132 = arith.constant 96 : index
      %swap3A_133 = tpu.vector_load %arg14[%swap3A_131, %swap3A_132] {strides = array<i32>} : memref<320x128xf32, #tpu.memory_space<vmem>>, vector<16xf32>,
      tpu.vector_store %arg14[%swap3A_131, %swap3A_132], %add3A_130 {strides = array<i32>} : memref<320x128xf32, #tpu.memory_space<vmem>>, vector<16xf32>,
      %get3A_134 = arith.index_cast %scan3A_85 : i32 to index
      %get3A_135 = arith.constant 112 : index
      %get3A_136 = tpu.vector_load %arg14[%get3A_134, %get3A_135] {strides = array<i32>} : memref<320x128xf32, #tpu.memory_space<vmem>>, vector<16xf32>,
      %add3A_137 = arith.addf %get3A_136, %get3A_15 : vector<16xf32>
      %swap3A_138 = arith.index_cast %scan3A_85 : i32 to index
      %swap3A_139 = arith.constant 112 : index
      %swap3A_140 = tpu.vector_load %arg14[%swap3A_138, %swap3A_139] {strides = array<i32>} : memref<320x128xf32, #tpu.memory_space<vmem>>, vector<16xf32>,
      tpu.vector_store %arg14[%swap3A_138, %swap3A_139], %add3A_137 {strides = array<i32>} : memref<320x128xf32, #tpu.memory_space<vmem>>, vector<16xf32>,
    }
    %scan3A_20 = arith.constant 320 : i32
    %get3A_21 = arith.constant 0 : index
    %get3A_22 = tpu.vector_load %arg16[%get3A_21] {strides = array<i32>} : memref<128xf32, #tpu.memory_space<vmem>>, vector<16xf32>,
    %get3A_23 = arith.constant 16 : index
    %get3A_24 = tpu.vector_load %arg16[%get3A_23] {strides = array<i32>} : memref<128xf32, #tpu.memory_space<vmem>>, vector<16xf32>,
    %get3A_25 = arith.constant 32 : index
    %get3A_26 = tpu.vector_load %arg16[%get3A_25] {strides = array<i32>} : memref<128xf32, #tpu.memory_space<vmem>>, vector<16xf32>,
    %get3A_27 = arith.constant 48 : index
    %get3A_28 = tpu.vector_load %arg16[%get3A_27] {strides = array<i32>} : memref<128xf32, #tpu.memory_space<vmem>>, vector<16xf32>,
    %get3A_29 = arith.constant 64 : index
    %get3A_30 = tpu.vector_load %arg16[%get3A_29] {strides = array<i32>} : memref<128xf32, #tpu.memory_space<vmem>>, vector<16xf32>,
    %get3A_31 = arith.constant 80 : index
    %get3A_32 = tpu.vector_load %arg16[%get3A_31] {strides = array<i32>} : memref<128xf32, #tpu.memory_space<vmem>>, vector<16xf32>,
    %get3A_33 = arith.constant 96 : index
    %get3A_34 = tpu.vector_load %arg16[%get3A_33] {strides = array<i32>} : memref<128xf32, #tpu.memory_space<vmem>>, vector<16xf32>,
    %get3A_35 = arith.constant 112 : index
    %get3A_36 = tpu.vector_load %arg16[%get3A_35] {strides = array<i32>} : memref<128xf32, #tpu.memory_space<vmem>>, vector<16xf32>,
    %get3A_37 = arith.constant 0 : index
    %get3A_38 = tpu.vector_load %arg17[%get3A_37] {strides = array<i32>} : memref<128xf32, #tpu.memory_space<vmem>>, vector<16xf32>,
    %get3A_39 = arith.constant 16 : index
    %get3A_40 = tpu.vector_load %arg17[%get3A_39] {strides = array<i32>} : memref<128xf32, #tpu.memory_space<vmem>>, vector<16xf32>,
    %get3A_41 = arith.constant 32 : index
    %get3A_42 = tpu.vector_load %arg17[%get3A_41] {strides = array<i32>} : memref<128xf32, #tpu.memory_space<vmem>>, vector<16xf32>,
    %get3A_43 = arith.constant 48 : index
    %get3A_44 = tpu.vector_load %arg17[%get3A_43] {strides = array<i32>} : memref<128xf32, #tpu.memory_space<vmem>>, vector<16xf32>,
    %get3A_45 = arith.constant 64 : index
    %get3A_46 = tpu.vector_load %arg17[%get3A_45] {strides = array<i32>} : memref<128xf32, #tpu.memory_space<vmem>>, vector<16xf32>,
    %get3A_47 = arith.constant 80 : index
    %get3A_48 = tpu.vector_load %arg17[%get3A_47] {strides = array<i32>} : memref<128xf32, #tpu.memory_space<vmem>>, vector<16xf32>,
    %get3A_49 = arith.constant 96 : index
    %get3A_50 = tpu.vector_load %arg17[%get3A_49] {strides = array<i32>} : memref<128xf32, #tpu.memory_space<vmem>>, vector<16xf32>,
    %get3A_51 = arith.constant 112 : index
    %get3A_52 = tpu.vector_load %arg17[%get3A_51] {strides = array<i32>} : memref<128xf32, #tpu.memory_space<vmem>>, vector<16xf32>,
    %mul3A_53 = arith.constant 6400 : i32
    %mul3A_54 = arith.muli %add3A, %mul3A_53 : i32
    %iota3A = tpu.iota {dimensions = array<i32: 0>} : vector<16xi32>
    %dma_start3A = arith.constant 0 : i32
    %dma_start3A_55 = arith.constant 0 : i32
    %dma_start3A_56 = tpu.memref_slice %arg9[%dma_start3A, %dma_start3A_55] : memref<50x128xi32, #tpu.memory_space<vmem>> -> memref<1x128xi32, #tpu.memory_space<vmem>>
    %dma_start3A_57 = tpu.memref_squeeze %dma_start3A_56 : memref<1x128xi32, #tpu.memory_space<vmem>> -> memref<128xi32, #tpu.memory_space<vmem>>
    %dma_start3A_58 = arith.constant 0 : i32
    %dma_start3A_59 = arith.constant 0 : i32
    %dma_start3A_60 = tpu.memref_slice %arg7[%dma_start3A_58, %dma_start3A_59] : memref<100000x128xf32, #tpu.memory_space<hbm>> -> memref<100000x128xf32, #tpu.memory_space<hbm>>
    tpu.enqueue_indirect_dma source(%dma_start3A_60 : memref<100000x128xf32, #tpu.memory_space<hbm>>) target(%arg10 : memref<128x128xf32, #tpu.memory_space<vmem>>) offsets(%dma_start3A_57 : memref<128xi32, #tpu.memory_space<vmem>>) semaphore(%arg18 : memref<!tpu.dma_semaphore, #tpu.memory_space<semaphore_mem>>)
    %dma_start3A_61 = arith.constant 1 : i32
    %dma_start3A_62 = arith.constant 0 : i32
    %dma_start3A_63 = tpu.memref_slice %arg9[%dma_start3A_61, %dma_start3A_62] : memref<50x128xi32, #tpu.memory_space<vmem>> -> memref<1x128xi32, #tpu.memory_space<vmem>>
    %dma_start3A_64 = tpu.memref_squeeze %dma_start3A_63 : memref<1x128xi32, #tpu.memory_space<vmem>> -> memref<128xi32, #tpu.memory_space<vmem>>
    %dma_start3A_65 = arith.constant 0 : i32
    %dma_start3A_66 = arith.constant 0 : i32
    %dma_start3A_67 = tpu.memref_slice %arg7[%dma_start3A_65, %dma_start3A_66] : memref<100000x128xf32, #tpu.memory_space<hbm>> -> memref<100000x128xf32, #tpu.memory_space<hbm>>
    tpu.enqueue_indirect_dma source(%dma_start3A_67 : memref<100000x128xf32, #tpu.memory_space<hbm>>) target(%arg11 : memref<128x128xf32, #tpu.memory_space<vmem>>) offsets(%dma_start3A_64 : memref<128xi32, #tpu.memory_space<vmem>>) semaphore(%arg19 : memref<!tpu.dma_semaphore, #tpu.memory_space<semaphore_mem>>)
    %scan3A_68 = arith.constant 0 : i32
    %scan3A_69 = arith.constant 0 : i32
    %scan3A_70 = arith.constant 25 : i32
    %scan3A_71 = arith.addi %scan3A_69, %scan3A_70 : i32
    %scan3A_72 = arith.constant 1 : i32
    scf.for %scan3A_85 = %scan3A_69 to %scan3A_71 step %scan3A_72  : i32 {
      %mul3A_86 = arith.constant 2 : i32
      %mul3A_87 = arith.muli %scan3A_85, %mul3A_86 : i32
      %add3A_88 = arith.constant 0 : i32
      %add3A_89 = arith.addi %mul3A_87, %add3A_88 : i32
      %dma_wait3A_90 = arith.constant 0 : i32
      %dma_wait3A_91 = arith.constant 0 : i32
      %dma_wait3A_92 = tpu.memref_slice %arg7[%dma_wait3A_90, %dma_wait3A_91] : memref<100000x128xf32, #tpu.memory_space<hbm>> -> memref<128x128xf32, #tpu.memory_space<hbm>>
      %dma_wait3A_93 = arith.constant 0 : i32
      %dma_wait3A_94 = arith.constant 0 : i32
      %dma_wait3A_95 = tpu.memref_slice %arg7[%dma_wait3A_93, %dma_wait3A_94] : memref<100000x128xf32, #tpu.memory_space<hbm>> -> memref<128x128xf32, #tpu.memory_space<hbm>>
      tpu.wait_dma2 semaphore(%arg18 : memref<!tpu.dma_semaphore, #tpu.memory_space<semaphore_mem>>) src(%dma_wait3A_95 : memref<128x128xf32, #tpu.memory_space<hbm>>) dst(%arg10 : memref<128x128xf32, #tpu.memory_space<vmem>>)
      %gt3A = arith.constant 0 : i32
      %gt3A_96 = arith.cmpi sgt, %scan3A_85, %gt3A : i32
      %convert_element_type3A = arith.extui %gt3A_96 : i1 to i32
      %cond3A = arith.constant 0 : i32
      %cond3A_97 = arith.cmpi ne, %convert_element_type3A, %cond3A : i32
      scf.if %cond3A_97 {
        %dma_wait3A_152 = arith.constant 0 : i32
        %dma_wait3A_153 = arith.constant 0 : i32
        %dma_wait3A_154 = tpu.memref_slice %arg8[%dma_wait3A_152, %dma_wait3A_153] : memref<204800x128xf32, #tpu.memory_space<hbm>> -> memref<128x128xf32, #tpu.memory_space<hbm>>
        %dma_wait3A_155 = arith.constant 0 : i32
        %dma_wait3A_156 = arith.constant 0 : i32
        %dma_wait3A_157 = tpu.memref_slice %arg8[%dma_wait3A_155, %dma_wait3A_156] : memref<204800x128xf32, #tpu.memory_space<hbm>> -> memref<128x128xf32, #tpu.memory_space<hbm>>
        tpu.wait_dma2 semaphore(%arg20 : memref<!tpu.dma_semaphore, #tpu.memory_space<semaphore_mem>>) src(%arg12 : memref<128x128xf32, #tpu.memory_space<vmem>>) dst(%dma_wait3A_157 : memref<128x128xf32, #tpu.memory_space<hbm>>)
      } else {
      }
      %mul3A_98 = arith.constant 128 : i32
      %mul3A_99 = arith.muli %add3A_89, %mul3A_98 : i32
      %rem3A = arith.constant 200 : i32
      %rem3A_100 = arith.remsi %mul3A_99, %rem3A : i32
      %parallel_loop3A = arith.constant 0 : i32
      %parallel_loop3A_101 = arith.constant 128 : i32
      %parallel_loop3A_102 = arith.constant 1 : i32
      scf.for %parallel_loop3A_152 = %parallel_loop3A to %parallel_loop3A_101 step %parallel_loop3A_102  : i32 {
        %parallel_loop3A_153 = arith.index_cast %parallel_loop3A_152 : i32 to index
        %parallel_loop3A_154 = arith.constant 0 : index
        %parallel_loop3A_155 = tpu.vector_load %arg10[%parallel_loop3A_153, %parallel_loop3A_154] {strides = array<i32>} : memref<128x128xf32, #tpu.memory_space<vmem>>, vector<16xf32>,
        %parallel_loop3A_156 = arith.addi %rem3A_100, %parallel_loop3A_152 : i32
        %parallel_loop3A_157 = arith.index_cast %parallel_loop3A_156 : i32 to index
        %parallel_loop3A_158 = arith.constant 0 : index
        %parallel_loop3A_159 = tpu.vector_load %arg14[%parallel_loop3A_157, %parallel_loop3A_158] {strides = array<i32>} : memref<320x128xf32, #tpu.memory_space<vmem>>, vector<16xf32>,
        %parallel_loop3A_160 = arith.addf %parallel_loop3A_155, %parallel_loop3A_159 : vector<16xf32>
        %parallel_loop3A_161 = arith.index_cast %parallel_loop3A_152 : i32 to index
        %parallel_loop3A_162 = arith.constant 16 : index
        %parallel_loop3A_163 = tpu.vector_load %arg10[%parallel_loop3A_161, %parallel_loop3A_162] {strides = array<i32>} : memref<128x128xf32, #tpu.memory_space<vmem>>, vector<16xf32>,
        %parallel_loop3A_164 = arith.addi %rem3A_100, %parallel_loop3A_152 : i32
        %parallel_loop3A_165 = arith.index_cast %parallel_loop3A_164 : i32 to index
        %parallel_loop3A_166 = arith.constant 16 : index
        %parallel_loop3A_167 = tpu.vector_load %arg14[%parallel_loop3A_165, %parallel_loop3A_166] {strides = array<i32>} : memref<320x128xf32, #tpu.memory_space<vmem>>, vector<16xf32>,
        %parallel_loop3A_168 = arith.addf %parallel_loop3A_163, %parallel_loop3A_167 : vector<16xf32>
        %parallel_loop3A_169 = arith.index_cast %parallel_loop3A_152 : i32 to index
        %parallel_loop3A_170 = arith.constant 32 : index
        %parallel_loop3A_171 = tpu.vector_load %arg10[%parallel_loop3A_169, %parallel_loop3A_170] {strides = array<i32>} : memref<128x128xf32, #tpu.memory_space<vmem>>, vector<16xf32>,
        %parallel_loop3A_172 = arith.addi %rem3A_100, %parallel_loop3A_152 : i32
        %parallel_loop3A_173 = arith.index_cast %parallel_loop3A_172 : i32 to index
        %parallel_loop3A_174 = arith.constant 32 : index
        %parallel_loop3A_175 = tpu.vector_load %arg14[%parallel_loop3A_173, %parallel_loop3A_174] {strides = array<i32>} : memref<320x128xf32, #tpu.memory_space<vmem>>, vector<16xf32>,
        %parallel_loop3A_176 = arith.addf %parallel_loop3A_171, %parallel_loop3A_175 : vector<16xf32>
        %parallel_loop3A_177 = arith.index_cast %parallel_loop3A_152 : i32 to index
        %parallel_loop3A_178 = arith.constant 48 : index
        %parallel_loop3A_179 = tpu.vector_load %arg10[%parallel_loop3A_177, %parallel_loop3A_178] {strides = array<i32>} : memref<128x128xf32, #tpu.memory_space<vmem>>, vector<16xf32>,
        %parallel_loop3A_180 = arith.addi %rem3A_100, %parallel_loop3A_152 : i32
        %parallel_loop3A_181 = arith.index_cast %parallel_loop3A_180 : i32 to index
        %parallel_loop3A_182 = arith.constant 48 : index
        %parallel_loop3A_183 = tpu.vector_load %arg14[%parallel_loop3A_181, %parallel_loop3A_182] {strides = array<i32>} : memref<320x128xf32, #tpu.memory_space<vmem>>, vector<16xf32>,
        %parallel_loop3A_184 = arith.addf %parallel_loop3A_179, %parallel_loop3A_183 : vector<16xf32>
        %parallel_loop3A_185 = arith.index_cast %parallel_loop3A_152 : i32 to index
        %parallel_loop3A_186 = arith.constant 64 : index
        %parallel_loop3A_187 = tpu.vector_load %arg10[%parallel_loop3A_185, %parallel_loop3A_186] {strides = array<i32>} : memref<128x128xf32, #tpu.memory_space<vmem>>, vector<16xf32>,
        %parallel_loop3A_188 = arith.addi %rem3A_100, %parallel_loop3A_152 : i32
        %parallel_loop3A_189 = arith.index_cast %parallel_loop3A_188 : i32 to index
        %parallel_loop3A_190 = arith.constant 64 : index
        %parallel_loop3A_191 = tpu.vector_load %arg14[%parallel_loop3A_189, %parallel_loop3A_190] {strides = array<i32>} : memref<320x128xf32, #tpu.memory_space<vmem>>, vector<16xf32>,
        %parallel_loop3A_192 = arith.addf %parallel_loop3A_187, %parallel_loop3A_191 : vector<16xf32>
        %parallel_loop3A_193 = arith.index_cast %parallel_loop3A_152 : i32 to index
        %parallel_loop3A_194 = arith.constant 80 : index
        %parallel_loop3A_195 = tpu.vector_load %arg10[%parallel_loop3A_193, %parallel_loop3A_194] {strides = array<i32>} : memref<128x128xf32, #tpu.memory_space<vmem>>, vector<16xf32>,
        %parallel_loop3A_196 = arith.addi %rem3A_100, %parallel_loop3A_152 : i32
        %parallel_loop3A_197 = arith.index_cast %parallel_loop3A_196 : i32 to index
        %parallel_loop3A_198 = arith.constant 80 : index
        %parallel_loop3A_199 = tpu.vector_load %arg14[%parallel_loop3A_197, %parallel_loop3A_198] {strides = array<i32>} : memref<320x128xf32, #tpu.memory_space<vmem>>, vector<16xf32>,
        %parallel_loop3A_200 = arith.addf %parallel_loop3A_195, %parallel_loop3A_199 : vector<16xf32>
        %parallel_loop3A_201 = arith.index_cast %parallel_loop3A_152 : i32 to index
        %parallel_loop3A_202 = arith.constant 96 : index
        %parallel_loop3A_203 = tpu.vector_load %arg10[%parallel_loop3A_201, %parallel_loop3A_202] {strides = array<i32>} : memref<128x128xf32, #tpu.memory_space<vmem>>, vector<16xf32>,
        %parallel_loop3A_204 = arith.addi %rem3A_100, %parallel_loop3A_152 : i32
        %parallel_loop3A_205 = arith.index_cast %parallel_loop3A_204 : i32 to index
        %parallel_loop3A_206 = arith.constant 96 : index
        %parallel_loop3A_207 = tpu.vector_load %arg14[%parallel_loop3A_205, %parallel_loop3A_206] {strides = array<i32>} : memref<320x128xf32, #tpu.memory_space<vmem>>, vector<16xf32>,
        %parallel_loop3A_208 = arith.addf %parallel_loop3A_203, %parallel_loop3A_207 : vector<16xf32>
        %parallel_loop3A_209 = arith.index_cast %parallel_loop3A_152 : i32 to index
        %parallel_loop3A_210 = arith.constant 112 : index
        %parallel_loop3A_211 = tpu.vector_load %arg10[%parallel_loop3A_209, %parallel_loop3A_210] {strides = array<i32>} : memref<128x128xf32, #tpu.memory_space<vmem>>, vector<16xf32>,
        %parallel_loop3A_212 = arith.addi %rem3A_100, %parallel_loop3A_152 : i32
        %parallel_loop3A_213 = arith.index_cast %parallel_loop3A_212 : i32 to index
        %parallel_loop3A_214 = arith.constant 112 : index
        %parallel_loop3A_215 = tpu.vector_load %arg14[%parallel_loop3A_213, %parallel_loop3A_214] {strides = array<i32>} : memref<320x128xf32, #tpu.memory_space<vmem>>, vector<16xf32>,
        %parallel_loop3A_216 = arith.addf %parallel_loop3A_211, %parallel_loop3A_215 : vector<16xf32>
        %parallel_loop3A_217 = arith.mulf %parallel_loop3A_160, %parallel_loop3A_160 : vector<16xf32>
        %parallel_loop3A_218 = arith.addf %parallel_loop3A_160, %parallel_loop3A_168 : vector<16xf32>
        %parallel_loop3A_219 = arith.mulf %parallel_loop3A_168, %parallel_loop3A_168 : vector<16xf32>
        %parallel_loop3A_220 = arith.addf %parallel_loop3A_217, %parallel_loop3A_219 : vector<16xf32>
        %parallel_loop3A_221 = arith.addf %parallel_loop3A_218, %parallel_loop3A_176 : vector<16xf32>
        %parallel_loop3A_222 = arith.mulf %parallel_loop3A_176, %parallel_loop3A_176 : vector<16xf32>
        %parallel_loop3A_223 = arith.addf %parallel_loop3A_220, %parallel_loop3A_222 : vector<16xf32>
        %parallel_loop3A_224 = arith.addf %parallel_loop3A_221, %parallel_loop3A_184 : vector<16xf32>
        %parallel_loop3A_225 = arith.mulf %parallel_loop3A_184, %parallel_loop3A_184 : vector<16xf32>
        %parallel_loop3A_226 = arith.addf %parallel_loop3A_223, %parallel_loop3A_225 : vector<16xf32>
        %parallel_loop3A_227 = arith.addf %parallel_loop3A_224, %parallel_loop3A_192 : vector<16xf32>
        %parallel_loop3A_228 = arith.mulf %parallel_loop3A_192, %parallel_loop3A_192 : vector<16xf32>
        %parallel_loop3A_229 = arith.addf %parallel_loop3A_226, %parallel_loop3A_228 : vector<16xf32>
        %parallel_loop3A_230 = arith.addf %parallel_loop3A_227, %parallel_loop3A_200 : vector<16xf32>
        %parallel_loop3A_231 = arith.mulf %parallel_loop3A_200, %parallel_loop3A_200 : vector<16xf32>
        %parallel_loop3A_232 = arith.addf %parallel_loop3A_229, %parallel_loop3A_231 : vector<16xf32>
        %parallel_loop3A_233 = arith.addf %parallel_loop3A_230, %parallel_loop3A_208 : vector<16xf32>
        %parallel_loop3A_234 = arith.mulf %parallel_loop3A_208, %parallel_loop3A_208 : vector<16xf32>
        %parallel_loop3A_235 = arith.addf %parallel_loop3A_232, %parallel_loop3A_234 : vector<16xf32>
        %parallel_loop3A_236 = arith.addf %parallel_loop3A_233, %parallel_loop3A_216 : vector<16xf32>
        %parallel_loop3A_237 = arith.mulf %parallel_loop3A_216, %parallel_loop3A_216 : vector<16xf32>
        %parallel_loop3A_238 = arith.addf %parallel_loop3A_235, %parallel_loop3A_237 : vector<16xf32>
        %parallel_loop3A_239 = arith.constant 8 : i32
        %parallel_loop3A_240 = vector.broadcast %parallel_loop3A_239 : i32 to vector<16xi32>
        %parallel_loop3A_241 = arith.xori %iota3A, %parallel_loop3A_240 : vector<16xi32>
        %parallel_loop3A_242 = vector.shape_cast %parallel_loop3A_241 : vector<16xi32> to vector<16x1xi32>
        %parallel_loop3A_243 = vector.shape_cast %parallel_loop3A_242 : vector<16x1xi32> to vector<16xi32>
        %parallel_loop3A_244 = tpu.dynamic_gather %parallel_loop3A_236[%parallel_loop3A_243] in [0] : vector<16xf32>, vector<16xi32> -> vector<16xf32>
        %parallel_loop3A_245 = arith.addf %parallel_loop3A_236, %parallel_loop3A_244 : vector<16xf32>
        %parallel_loop3A_246 = arith.constant 4 : i32
        %parallel_loop3A_247 = vector.broadcast %parallel_loop3A_246 : i32 to vector<16xi32>
        %parallel_loop3A_248 = arith.xori %iota3A, %parallel_loop3A_247 : vector<16xi32>
        %parallel_loop3A_249 = vector.shape_cast %parallel_loop3A_248 : vector<16xi32> to vector<16x1xi32>
        %parallel_loop3A_250 = vector.shape_cast %parallel_loop3A_249 : vector<16x1xi32> to vector<16xi32>
        %parallel_loop3A_251 = tpu.dynamic_gather %parallel_loop3A_245[%parallel_loop3A_250] in [0] : vector<16xf32>, vector<16xi32> -> vector<16xf32>
        %parallel_loop3A_252 = arith.addf %parallel_loop3A_245, %parallel_loop3A_251 : vector<16xf32>
        %parallel_loop3A_253 = arith.constant 2 : i32
        %parallel_loop3A_254 = vector.broadcast %parallel_loop3A_253 : i32 to vector<16xi32>
        %parallel_loop3A_255 = arith.xori %iota3A, %parallel_loop3A_254 : vector<16xi32>
        %parallel_loop3A_256 = vector.shape_cast %parallel_loop3A_255 : vector<16xi32> to vector<16x1xi32>
        %parallel_loop3A_257 = vector.shape_cast %parallel_loop3A_256 : vector<16x1xi32> to vector<16xi32>
        %parallel_loop3A_258 = tpu.dynamic_gather %parallel_loop3A_252[%parallel_loop3A_257] in [0] : vector<16xf32>, vector<16xi32> -> vector<16xf32>
        %parallel_loop3A_259 = arith.addf %parallel_loop3A_252, %parallel_loop3A_258 : vector<16xf32>
        %parallel_loop3A_260 = arith.constant 1 : i32
        %parallel_loop3A_261 = vector.broadcast %parallel_loop3A_260 : i32 to vector<16xi32>
        %parallel_loop3A_262 = arith.xori %iota3A, %parallel_loop3A_261 : vector<16xi32>
        %parallel_loop3A_263 = vector.shape_cast %parallel_loop3A_262 : vector<16xi32> to vector<16x1xi32>
        %parallel_loop3A_264 = vector.shape_cast %parallel_loop3A_263 : vector<16x1xi32> to vector<16xi32>
        %parallel_loop3A_265 = tpu.dynamic_gather %parallel_loop3A_259[%parallel_loop3A_264] in [0] : vector<16xf32>, vector<16xi32> -> vector<16xf32>
        %parallel_loop3A_266 = arith.addf %parallel_loop3A_259, %parallel_loop3A_265 : vector<16xf32>
        %parallel_loop3A_267 = arith.constant 8 : i32
        %parallel_loop3A_268 = vector.broadcast %parallel_loop3A_267 : i32 to vector<16xi32>
        %parallel_loop3A_269 = arith.xori %iota3A, %parallel_loop3A_268 : vector<16xi32>
        %parallel_loop3A_270 = vector.shape_cast %parallel_loop3A_269 : vector<16xi32> to vector<16x1xi32>
        %parallel_loop3A_271 = vector.shape_cast %parallel_loop3A_270 : vector<16x1xi32> to vector<16xi32>
        %parallel_loop3A_272 = tpu.dynamic_gather %parallel_loop3A_238[%parallel_loop3A_271] in [0] : vector<16xf32>, vector<16xi32> -> vector<16xf32>
        %parallel_loop3A_273 = arith.addf %parallel_loop3A_238, %parallel_loop3A_272 : vector<16xf32>
        %parallel_loop3A_274 = arith.constant 4 : i32
        %parallel_loop3A_275 = vector.broadcast %parallel_loop3A_274 : i32 to vector<16xi32>
        %parallel_loop3A_276 = arith.xori %iota3A, %parallel_loop3A_275 : vector<16xi32>
        %parallel_loop3A_277 = vector.shape_cast %parallel_loop3A_276 : vector<16xi32> to vector<16x1xi32>
        %parallel_loop3A_278 = vector.shape_cast %parallel_loop3A_277 : vector<16x1xi32> to vector<16xi32>
        %parallel_loop3A_279 = tpu.dynamic_gather %parallel_loop3A_273[%parallel_loop3A_278] in [0] : vector<16xf32>, vector<16xi32> -> vector<16xf32>
        %parallel_loop3A_280 = arith.addf %parallel_loop3A_273, %parallel_loop3A_279 : vector<16xf32>
        %parallel_loop3A_281 = arith.constant 2 : i32
        %parallel_loop3A_282 = vector.broadcast %parallel_loop3A_281 : i32 to vector<16xi32>
        %parallel_loop3A_283 = arith.xori %iota3A, %parallel_loop3A_282 : vector<16xi32>
        %parallel_loop3A_284 = vector.shape_cast %parallel_loop3A_283 : vector<16xi32> to vector<16x1xi32>
        %parallel_loop3A_285 = vector.shape_cast %parallel_loop3A_284 : vector<16x1xi32> to vector<16xi32>
        %parallel_loop3A_286 = tpu.dynamic_gather %parallel_loop3A_280[%parallel_loop3A_285] in [0] : vector<16xf32>, vector<16xi32> -> vector<16xf32>
        %parallel_loop3A_287 = arith.addf %parallel_loop3A_280, %parallel_loop3A_286 : vector<16xf32>
        %parallel_loop3A_288 = arith.constant 1 : i32
        %parallel_loop3A_289 = vector.broadcast %parallel_loop3A_288 : i32 to vector<16xi32>
        %parallel_loop3A_290 = arith.xori %iota3A, %parallel_loop3A_289 : vector<16xi32>
        %parallel_loop3A_291 = vector.shape_cast %parallel_loop3A_290 : vector<16xi32> to vector<16x1xi32>
        %parallel_loop3A_292 = vector.shape_cast %parallel_loop3A_291 : vector<16x1xi32> to vector<16xi32>
        %parallel_loop3A_293 = tpu.dynamic_gather %parallel_loop3A_287[%parallel_loop3A_292] in [0] : vector<16xf32>, vector<16xi32> -> vector<16xf32>
        %parallel_loop3A_294 = arith.addf %parallel_loop3A_287, %parallel_loop3A_293 : vector<16xf32>
        %parallel_loop3A_295 = arith.constant 7.812500e-03 : f32
        %parallel_loop3A_296 = vector.broadcast %parallel_loop3A_295 : f32 to vector<16xf32>
        %parallel_loop3A_297 = arith.mulf %parallel_loop3A_266, %parallel_loop3A_296 : vector<16xf32>
        %parallel_loop3A_298 = arith.constant 7.812500e-03 : f32
        %parallel_loop3A_299 = vector.broadcast %parallel_loop3A_298 : f32 to vector<16xf32>
        %parallel_loop3A_300 = arith.mulf %parallel_loop3A_294, %parallel_loop3A_299 : vector<16xf32>
        %parallel_loop3A_301 = arith.mulf %parallel_loop3A_297, %parallel_loop3A_297 : vector<16xf32>
        %parallel_loop3A_302 = arith.subf %parallel_loop3A_300, %parallel_loop3A_301 : vector<16xf32>
        %parallel_loop3A_303 = arith.constant 9.99999996E-13 : f32
        %parallel_loop3A_304 = vector.broadcast %parallel_loop3A_303 : f32 to vector<16xf32>
        %parallel_loop3A_305 = arith.addf %parallel_loop3A_302, %parallel_loop3A_304 : vector<16xf32>
        %parallel_loop3A_306 = vector.bitcast %parallel_loop3A_305 : vector<16xf32> to vector<16xi32>
        %parallel_loop3A_307 = arith.constant 1 : i32
        %parallel_loop3A_308 = vector.broadcast %parallel_loop3A_307 : i32 to vector<16xi32>
        %parallel_loop3A_309 = arith.shrui %parallel_loop3A_306, %parallel_loop3A_308 : vector<16xi32>
        %parallel_loop3A_310 = arith.constant 1597463007 : i32
        %parallel_loop3A_311 = vector.broadcast %parallel_loop3A_310 : i32 to vector<16xi32>
        %parallel_loop3A_312 = arith.subi %parallel_loop3A_311, %parallel_loop3A_309 : vector<16xi32>
        %parallel_loop3A_313 = vector.bitcast %parallel_loop3A_312 : vector<16xi32> to vector<16xf32>
        %parallel_loop3A_314 = arith.constant 5.000000e-01 : f32
        %parallel_loop3A_315 = vector.broadcast %parallel_loop3A_314 : f32 to vector<16xf32>
        %parallel_loop3A_316 = arith.mulf %parallel_loop3A_305, %parallel_loop3A_315 : vector<16xf32>
        %parallel_loop3A_317 = arith.mulf %parallel_loop3A_316, %parallel_loop3A_313 : vector<16xf32>
        %parallel_loop3A_318 = arith.mulf %parallel_loop3A_317, %parallel_loop3A_313 : vector<16xf32>
        %parallel_loop3A_319 = arith.constant 1.500000e+00 : f32
        %parallel_loop3A_320 = vector.broadcast %parallel_loop3A_319 : f32 to vector<16xf32>
        %parallel_loop3A_321 = arith.subf %parallel_loop3A_320, %parallel_loop3A_318 : vector<16xf32>
        %parallel_loop3A_322 = arith.mulf %parallel_loop3A_313, %parallel_loop3A_321 : vector<16xf32>
        %parallel_loop3A_323 = arith.mulf %get3A_22, %parallel_loop3A_322 : vector<16xf32>
        %parallel_loop3A_324 = arith.subf %parallel_loop3A_160, %parallel_loop3A_297 : vector<16xf32>
        %parallel_loop3A_325 = arith.mulf %parallel_loop3A_324, %parallel_loop3A_323 : vector<16xf32>
        %parallel_loop3A_326 = arith.addf %parallel_loop3A_325, %get3A_38 : vector<16xf32>
        %parallel_loop3A_327 = arith.index_cast %parallel_loop3A_152 : i32 to index
        %parallel_loop3A_328 = arith.constant 0 : index
        %parallel_loop3A_329 = tpu.vector_load %arg12[%parallel_loop3A_327, %parallel_loop3A_328] {strides = array<i32>} : memref<128x128xf32, #tpu.memory_space<vmem>>, vector<16xf32>,
        tpu.vector_store %arg12[%parallel_loop3A_327, %parallel_loop3A_328], %parallel_loop3A_326 {strides = array<i32>} : memref<128x128xf32, #tpu.memory_space<vmem>>, vector<16xf32>,
        %parallel_loop3A_330 = arith.mulf %get3A_24, %parallel_loop3A_322 : vector<16xf32>
        %parallel_loop3A_331 = arith.subf %parallel_loop3A_168, %parallel_loop3A_297 : vector<16xf32>
        %parallel_loop3A_332 = arith.mulf %parallel_loop3A_331, %parallel_loop3A_330 : vector<16xf32>
        %parallel_loop3A_333 = arith.addf %parallel_loop3A_332, %get3A_40 : vector<16xf32>
        %parallel_loop3A_334 = arith.index_cast %parallel_loop3A_152 : i32 to index
        %parallel_loop3A_335 = arith.constant 16 : index
        %parallel_loop3A_336 = tpu.vector_load %arg12[%parallel_loop3A_334, %parallel_loop3A_335] {strides = array<i32>} : memref<128x128xf32, #tpu.memory_space<vmem>>, vector<16xf32>,
        tpu.vector_store %arg12[%parallel_loop3A_334, %parallel_loop3A_335], %parallel_loop3A_333 {strides = array<i32>} : memref<128x128xf32, #tpu.memory_space<vmem>>, vector<16xf32>,
        %parallel_loop3A_337 = arith.mulf %get3A_26, %parallel_loop3A_322 : vector<16xf32>
        %parallel_loop3A_338 = arith.subf %parallel_loop3A_176, %parallel_loop3A_297 : vector<16xf32>
        %parallel_loop3A_339 = arith.mulf %parallel_loop3A_338, %parallel_loop3A_337 : vector<16xf32>
        %parallel_loop3A_340 = arith.addf %parallel_loop3A_339, %get3A_42 : vector<16xf32>
        %parallel_loop3A_341 = arith.index_cast %parallel_loop3A_152 : i32 to index
        %parallel_loop3A_342 = arith.constant 32 : index
        %parallel_loop3A_343 = tpu.vector_load %arg12[%parallel_loop3A_341, %parallel_loop3A_342] {strides = array<i32>} : memref<128x128xf32, #tpu.memory_space<vmem>>, vector<16xf32>,
        tpu.vector_store %arg12[%parallel_loop3A_341, %parallel_loop3A_342], %parallel_loop3A_340 {strides = array<i32>} : memref<128x128xf32, #tpu.memory_space<vmem>>, vector<16xf32>,
        %parallel_loop3A_344 = arith.mulf %get3A_28, %parallel_loop3A_322 : vector<16xf32>
        %parallel_loop3A_345 = arith.subf %parallel_loop3A_184, %parallel_loop3A_297 : vector<16xf32>
        %parallel_loop3A_346 = arith.mulf %parallel_loop3A_345, %parallel_loop3A_344 : vector<16xf32>
        %parallel_loop3A_347 = arith.addf %parallel_loop3A_346, %get3A_44 : vector<16xf32>
        %parallel_loop3A_348 = arith.index_cast %parallel_loop3A_152 : i32 to index
        %parallel_loop3A_349 = arith.constant 48 : index
        %parallel_loop3A_350 = tpu.vector_load %arg12[%parallel_loop3A_348, %parallel_loop3A_349] {strides = array<i32>} : memref<128x128xf32, #tpu.memory_space<vmem>>, vector<16xf32>,
        tpu.vector_store %arg12[%parallel_loop3A_348, %parallel_loop3A_349], %parallel_loop3A_347 {strides = array<i32>} : memref<128x128xf32, #tpu.memory_space<vmem>>, vector<16xf32>,
        %parallel_loop3A_351 = arith.mulf %get3A_30, %parallel_loop3A_322 : vector<16xf32>
        %parallel_loop3A_352 = arith.subf %parallel_loop3A_192, %parallel_loop3A_297 : vector<16xf32>
        %parallel_loop3A_353 = arith.mulf %parallel_loop3A_352, %parallel_loop3A_351 : vector<16xf32>
        %parallel_loop3A_354 = arith.addf %parallel_loop3A_353, %get3A_46 : vector<16xf32>
        %parallel_loop3A_355 = arith.index_cast %parallel_loop3A_152 : i32 to index
        %parallel_loop3A_356 = arith.constant 64 : index
        %parallel_loop3A_357 = tpu.vector_load %arg12[%parallel_loop3A_355, %parallel_loop3A_356] {strides = array<i32>} : memref<128x128xf32, #tpu.memory_space<vmem>>, vector<16xf32>,
        tpu.vector_store %arg12[%parallel_loop3A_355, %parallel_loop3A_356], %parallel_loop3A_354 {strides = array<i32>} : memref<128x128xf32, #tpu.memory_space<vmem>>, vector<16xf32>,
        %parallel_loop3A_358 = arith.mulf %get3A_32, %parallel_loop3A_322 : vector<16xf32>
        %parallel_loop3A_359 = arith.subf %parallel_loop3A_200, %parallel_loop3A_297 : vector<16xf32>
        %parallel_loop3A_360 = arith.mulf %parallel_loop3A_359, %parallel_loop3A_358 : vector<16xf32>
        %parallel_loop3A_361 = arith.addf %parallel_loop3A_360, %get3A_48 : vector<16xf32>
        %parallel_loop3A_362 = arith.index_cast %parallel_loop3A_152 : i32 to index
        %parallel_loop3A_363 = arith.constant 80 : index
        %parallel_loop3A_364 = tpu.vector_load %arg12[%parallel_loop3A_362, %parallel_loop3A_363] {strides = array<i32>} : memref<128x128xf32, #tpu.memory_space<vmem>>, vector<16xf32>,
        tpu.vector_store %arg12[%parallel_loop3A_362, %parallel_loop3A_363], %parallel_loop3A_361 {strides = array<i32>} : memref<128x128xf32, #tpu.memory_space<vmem>>, vector<16xf32>,
        %parallel_loop3A_365 = arith.mulf %get3A_34, %parallel_loop3A_322 : vector<16xf32>
        %parallel_loop3A_366 = arith.subf %parallel_loop3A_208, %parallel_loop3A_297 : vector<16xf32>
        %parallel_loop3A_367 = arith.mulf %parallel_loop3A_366, %parallel_loop3A_365 : vector<16xf32>
        %parallel_loop3A_368 = arith.addf %parallel_loop3A_367, %get3A_50 : vector<16xf32>
        %parallel_loop3A_369 = arith.index_cast %parallel_loop3A_152 : i32 to index
        %parallel_loop3A_370 = arith.constant 96 : index
        %parallel_loop3A_371 = tpu.vector_load %arg12[%parallel_loop3A_369, %parallel_loop3A_370] {strides = array<i32>} : memref<128x128xf32, #tpu.memory_space<vmem>>, vector<16xf32>,
        tpu.vector_store %arg12[%parallel_loop3A_369, %parallel_loop3A_370], %parallel_loop3A_368 {strides = array<i32>} : memref<128x128xf32, #tpu.memory_space<vmem>>, vector<16xf32>,
        %parallel_loop3A_372 = arith.mulf %get3A_36, %parallel_loop3A_322 : vector<16xf32>
        %parallel_loop3A_373 = arith.subf %parallel_loop3A_216, %parallel_loop3A_297 : vector<16xf32>
        %parallel_loop3A_374 = arith.mulf %parallel_loop3A_373, %parallel_loop3A_372 : vector<16xf32>
        %parallel_loop3A_375 = arith.addf %parallel_loop3A_374, %get3A_52 : vector<16xf32>
        %parallel_loop3A_376 = arith.index_cast %parallel_loop3A_152 : i32 to index
        %parallel_loop3A_377 = arith.constant 112 : index
        %parallel_loop3A_378 = tpu.vector_load %arg12[%parallel_loop3A_376, %parallel_loop3A_377] {strides = array<i32>} : memref<128x128xf32, #tpu.memory_space<vmem>>, vector<16xf32>,
        tpu.vector_store %arg12[%parallel_loop3A_376, %parallel_loop3A_377], %parallel_loop3A_375 {strides = array<i32>} : memref<128x128xf32, #tpu.memory_space<vmem>>, vector<16xf32>,
      } {sc.loop_unroll_factor = 2 : i64, sc.parallel_access}
      %add3A_103 = arith.constant 2 : i32
      %add3A_104 = arith.addi %add3A_89, %add3A_103 : i32
      %lt3A = arith.constant 50 : i32
      %lt3A_105 = arith.cmpi slt, %add3A_104, %lt3A : i32
      %convert_element_type3A_106 = arith.extui %lt3A_105 : i1 to i32
      %cond3A_107 = arith.constant 0 : i32
      %cond3A_108 = arith.cmpi ne, %convert_element_type3A_106, %cond3A_107 : i32
      scf.if %cond3A_108 {
        %add3A_152 = arith.constant 2 : i32
        %add3A_153 = arith.addi %add3A_89, %add3A_152 : i32
        %dma_start3A_154 = arith.constant 0 : i32
        %dma_start3A_155 = tpu.memref_slice %arg9[%add3A_153, %dma_start3A_154] : memref<50x128xi32, #tpu.memory_space<vmem>> -> memref<1x128xi32, #tpu.memory_space<vmem>>
        %dma_start3A_156 = tpu.memref_squeeze %dma_start3A_155 : memref<1x128xi32, #tpu.memory_space<vmem>> -> memref<128xi32, #tpu.memory_space<vmem>>
        %dma_start3A_157 = arith.constant 0 : i32
        %dma_start3A_158 = arith.constant 0 : i32
        %dma_start3A_159 = tpu.memref_slice %arg7[%dma_start3A_157, %dma_start3A_158] : memref<100000x128xf32, #tpu.memory_space<hbm>> -> memref<100000x128xf32, #tpu.memory_space<hbm>>
        tpu.enqueue_indirect_dma source(%dma_start3A_159 : memref<100000x128xf32, #tpu.memory_space<hbm>>) target(%arg10 : memref<128x128xf32, #tpu.memory_space<vmem>>) offsets(%dma_start3A_156 : memref<128xi32, #tpu.memory_space<vmem>>) semaphore(%arg18 : memref<!tpu.dma_semaphore, #tpu.memory_space<semaphore_mem>>)
      } else {
      }
      %mul3A_109 = arith.constant 128 : i32
      %mul3A_110 = arith.muli %add3A_89, %mul3A_109 : i32
      %add3A_111 = arith.addi %mul3A_54, %mul3A_110 : i32
      %dma_start3A_112 = arith.constant 0 : i32
      %dma_start3A_113 = tpu.memref_slice %arg8[%add3A_111, %dma_start3A_112] : memref<204800x128xf32, #tpu.memory_space<hbm>> -> memref<128x128xf32, #tpu.memory_space<hbm>>
      %dma_start3A_114 = arith.constant 0 : i32
      %dma_start3A_115 = tpu.memref_slice %arg8[%add3A_111, %dma_start3A_114] : memref<204800x128xf32, #tpu.memory_space<hbm>> -> memref<128x128xf32, #tpu.memory_space<hbm>>
      tpu.enqueue_dma source(%arg12 : memref<128x128xf32, #tpu.memory_space<vmem>>) target(%dma_start3A_115 : memref<128x128xf32, #tpu.memory_space<hbm>>) target_semaphore(%arg20 : memref<!tpu.dma_semaphore, #tpu.memory_space<semaphore_mem>>)
      %mul3A_116 = arith.constant 2 : i32
      %mul3A_117 = arith.muli %scan3A_85, %mul3A_116 : i32
      %add3A_118 = arith.constant 1 : i32
      %add3A_119 = arith.addi %mul3A_117, %add3A_118 : i32
      %dma_wait3A_120 = arith.constant 0 : i32
      %dma_wait3A_121 = arith.constant 0 : i32
      %dma_wait3A_122 = tpu.memref_slice %arg7[%dma_wait3A_120, %dma_wait3A_121] : memref<100000x128xf32, #tpu.memory_space<hbm>> -> memref<128x128xf32, #tpu.memory_space<hbm>>
      %dma_wait3A_123 = arith.constant 0 : i32
      %dma_wait3A_124 = arith.constant 0 : i32
      %dma_wait3A_125 = tpu.memref_slice %arg7[%dma_wait3A_123, %dma_wait3A_124] : memref<100000x128xf32, #tpu.memory_space<hbm>> -> memref<128x128xf32, #tpu.memory_space<hbm>>
      tpu.wait_dma2 semaphore(%arg19 : memref<!tpu.dma_semaphore, #tpu.memory_space<semaphore_mem>>) src(%dma_wait3A_125 : memref<128x128xf32, #tpu.memory_space<hbm>>) dst(%arg11 : memref<128x128xf32, #tpu.memory_space<vmem>>)
      %gt3A_126 = arith.constant 0 : i32
      %gt3A_127 = arith.cmpi sgt, %scan3A_85, %gt3A_126 : i32
      %convert_element_type3A_128 = arith.extui %gt3A_127 : i1 to i32
      %cond3A_129 = arith.constant 0 : i32
      %cond3A_130 = arith.cmpi ne, %convert_element_type3A_128, %cond3A_129 : i32
      scf.if %cond3A_130 {
        %dma_wait3A_152 = arith.constant 0 : i32
        %dma_wait3A_153 = arith.constant 0 : i32
        %dma_wait3A_154 = tpu.memref_slice %arg8[%dma_wait3A_152, %dma_wait3A_153] : memref<204800x128xf32, #tpu.memory_space<hbm>> -> memref<128x128xf32, #tpu.memory_space<hbm>>
        %dma_wait3A_155 = arith.constant 0 : i32
        %dma_wait3A_156 = arith.constant 0 : i32
        %dma_wait3A_157 = tpu.memref_slice %arg8[%dma_wait3A_155, %dma_wait3A_156] : memref<204800x128xf32, #tpu.memory_space<hbm>> -> memref<128x128xf32, #tpu.memory_space<hbm>>
        tpu.wait_dma2 semaphore(%arg21 : memref<!tpu.dma_semaphore, #tpu.memory_space<semaphore_mem>>) src(%arg13 : memref<128x128xf32, #tpu.memory_space<vmem>>) dst(%dma_wait3A_157 : memref<128x128xf32, #tpu.memory_space<hbm>>)
      } else {
      }
      %mul3A_131 = arith.constant 128 : i32
      %mul3A_132 = arith.muli %add3A_119, %mul3A_131 : i32
      %rem3A_133 = arith.constant 200 : i32
      %rem3A_134 = arith.remsi %mul3A_132, %rem3A_133 : i32
      %parallel_loop3A_135 = arith.constant 0 : i32
      %parallel_loop3A_136 = arith.constant 128 : i32
      %parallel_loop3A_137 = arith.constant 1 : i32
      scf.for %parallel_loop3A_152 = %parallel_loop3A_135 to %parallel_loop3A_136 step %parallel_loop3A_137  : i32 {
        %parallel_loop3A_153 = arith.index_cast %parallel_loop3A_152 : i32 to index
        %parallel_loop3A_154 = arith.constant 0 : index
        %parallel_loop3A_155 = tpu.vector_load %arg11[%parallel_loop3A_153, %parallel_loop3A_154] {strides = array<i32>} : memref<128x128xf32, #tpu.memory_space<vmem>>, vector<16xf32>,
        %parallel_loop3A_156 = arith.addi %rem3A_134, %parallel_loop3A_152 : i32
        %parallel_loop3A_157 = arith.index_cast %parallel_loop3A_156 : i32 to index
        %parallel_loop3A_158 = arith.constant 0 : index
        %parallel_loop3A_159 = tpu.vector_load %arg14[%parallel_loop3A_157, %parallel_loop3A_158] {strides = array<i32>} : memref<320x128xf32, #tpu.memory_space<vmem>>, vector<16xf32>,
        %parallel_loop3A_160 = arith.addf %parallel_loop3A_155, %parallel_loop3A_159 : vector<16xf32>
        %parallel_loop3A_161 = arith.index_cast %parallel_loop3A_152 : i32 to index
        %parallel_loop3A_162 = arith.constant 16 : index
        %parallel_loop3A_163 = tpu.vector_load %arg11[%parallel_loop3A_161, %parallel_loop3A_162] {strides = array<i32>} : memref<128x128xf32, #tpu.memory_space<vmem>>, vector<16xf32>,
        %parallel_loop3A_164 = arith.addi %rem3A_134, %parallel_loop3A_152 : i32
        %parallel_loop3A_165 = arith.index_cast %parallel_loop3A_164 : i32 to index
        %parallel_loop3A_166 = arith.constant 16 : index
        %parallel_loop3A_167 = tpu.vector_load %arg14[%parallel_loop3A_165, %parallel_loop3A_166] {strides = array<i32>} : memref<320x128xf32, #tpu.memory_space<vmem>>, vector<16xf32>,
        %parallel_loop3A_168 = arith.addf %parallel_loop3A_163, %parallel_loop3A_167 : vector<16xf32>
        %parallel_loop3A_169 = arith.index_cast %parallel_loop3A_152 : i32 to index
        %parallel_loop3A_170 = arith.constant 32 : index
        %parallel_loop3A_171 = tpu.vector_load %arg11[%parallel_loop3A_169, %parallel_loop3A_170] {strides = array<i32>} : memref<128x128xf32, #tpu.memory_space<vmem>>, vector<16xf32>,
        %parallel_loop3A_172 = arith.addi %rem3A_134, %parallel_loop3A_152 : i32
        %parallel_loop3A_173 = arith.index_cast %parallel_loop3A_172 : i32 to index
        %parallel_loop3A_174 = arith.constant 32 : index
        %parallel_loop3A_175 = tpu.vector_load %arg14[%parallel_loop3A_173, %parallel_loop3A_174] {strides = array<i32>} : memref<320x128xf32, #tpu.memory_space<vmem>>, vector<16xf32>,
        %parallel_loop3A_176 = arith.addf %parallel_loop3A_171, %parallel_loop3A_175 : vector<16xf32>
        %parallel_loop3A_177 = arith.index_cast %parallel_loop3A_152 : i32 to index
        %parallel_loop3A_178 = arith.constant 48 : index
        %parallel_loop3A_179 = tpu.vector_load %arg11[%parallel_loop3A_177, %parallel_loop3A_178] {strides = array<i32>} : memref<128x128xf32, #tpu.memory_space<vmem>>, vector<16xf32>,
        %parallel_loop3A_180 = arith.addi %rem3A_134, %parallel_loop3A_152 : i32
        %parallel_loop3A_181 = arith.index_cast %parallel_loop3A_180 : i32 to index
        %parallel_loop3A_182 = arith.constant 48 : index
        %parallel_loop3A_183 = tpu.vector_load %arg14[%parallel_loop3A_181, %parallel_loop3A_182] {strides = array<i32>} : memref<320x128xf32, #tpu.memory_space<vmem>>, vector<16xf32>,
        %parallel_loop3A_184 = arith.addf %parallel_loop3A_179, %parallel_loop3A_183 : vector<16xf32>
        %parallel_loop3A_185 = arith.index_cast %parallel_loop3A_152 : i32 to index
        %parallel_loop3A_186 = arith.constant 64 : index
        %parallel_loop3A_187 = tpu.vector_load %arg11[%parallel_loop3A_185, %parallel_loop3A_186] {strides = array<i32>} : memref<128x128xf32, #tpu.memory_space<vmem>>, vector<16xf32>,
        %parallel_loop3A_188 = arith.addi %rem3A_134, %parallel_loop3A_152 : i32
        %parallel_loop3A_189 = arith.index_cast %parallel_loop3A_188 : i32 to index
        %parallel_loop3A_190 = arith.constant 64 : index
        %parallel_loop3A_191 = tpu.vector_load %arg14[%parallel_loop3A_189, %parallel_loop3A_190] {strides = array<i32>} : memref<320x128xf32, #tpu.memory_space<vmem>>, vector<16xf32>,
        %parallel_loop3A_192 = arith.addf %parallel_loop3A_187, %parallel_loop3A_191 : vector<16xf32>
        %parallel_loop3A_193 = arith.index_cast %parallel_loop3A_152 : i32 to index
        %parallel_loop3A_194 = arith.constant 80 : index
        %parallel_loop3A_195 = tpu.vector_load %arg11[%parallel_loop3A_193, %parallel_loop3A_194] {strides = array<i32>} : memref<128x128xf32, #tpu.memory_space<vmem>>, vector<16xf32>,
        %parallel_loop3A_196 = arith.addi %rem3A_134, %parallel_loop3A_152 : i32
        %parallel_loop3A_197 = arith.index_cast %parallel_loop3A_196 : i32 to index
        %parallel_loop3A_198 = arith.constant 80 : index
        %parallel_loop3A_199 = tpu.vector_load %arg14[%parallel_loop3A_197, %parallel_loop3A_198] {strides = array<i32>} : memref<320x128xf32, #tpu.memory_space<vmem>>, vector<16xf32>,
        %parallel_loop3A_200 = arith.addf %parallel_loop3A_195, %parallel_loop3A_199 : vector<16xf32>
        %parallel_loop3A_201 = arith.index_cast %parallel_loop3A_152 : i32 to index
        %parallel_loop3A_202 = arith.constant 96 : index
        %parallel_loop3A_203 = tpu.vector_load %arg11[%parallel_loop3A_201, %parallel_loop3A_202] {strides = array<i32>} : memref<128x128xf32, #tpu.memory_space<vmem>>, vector<16xf32>,
        %parallel_loop3A_204 = arith.addi %rem3A_134, %parallel_loop3A_152 : i32
        %parallel_loop3A_205 = arith.index_cast %parallel_loop3A_204 : i32 to index
        %parallel_loop3A_206 = arith.constant 96 : index
        %parallel_loop3A_207 = tpu.vector_load %arg14[%parallel_loop3A_205, %parallel_loop3A_206] {strides = array<i32>} : memref<320x128xf32, #tpu.memory_space<vmem>>, vector<16xf32>,
        %parallel_loop3A_208 = arith.addf %parallel_loop3A_203, %parallel_loop3A_207 : vector<16xf32>
        %parallel_loop3A_209 = arith.index_cast %parallel_loop3A_152 : i32 to index
        %parallel_loop3A_210 = arith.constant 112 : index
        %parallel_loop3A_211 = tpu.vector_load %arg11[%parallel_loop3A_209, %parallel_loop3A_210] {strides = array<i32>} : memref<128x128xf32, #tpu.memory_space<vmem>>, vector<16xf32>,
        %parallel_loop3A_212 = arith.addi %rem3A_134, %parallel_loop3A_152 : i32
        %parallel_loop3A_213 = arith.index_cast %parallel_loop3A_212 : i32 to index
        %parallel_loop3A_214 = arith.constant 112 : index
        %parallel_loop3A_215 = tpu.vector_load %arg14[%parallel_loop3A_213, %parallel_loop3A_214] {strides = array<i32>} : memref<320x128xf32, #tpu.memory_space<vmem>>, vector<16xf32>,
        %parallel_loop3A_216 = arith.addf %parallel_loop3A_211, %parallel_loop3A_215 : vector<16xf32>
        %parallel_loop3A_217 = arith.mulf %parallel_loop3A_160, %parallel_loop3A_160 : vector<16xf32>
        %parallel_loop3A_218 = arith.addf %parallel_loop3A_160, %parallel_loop3A_168 : vector<16xf32>
        %parallel_loop3A_219 = arith.mulf %parallel_loop3A_168, %parallel_loop3A_168 : vector<16xf32>
        %parallel_loop3A_220 = arith.addf %parallel_loop3A_217, %parallel_loop3A_219 : vector<16xf32>
        %parallel_loop3A_221 = arith.addf %parallel_loop3A_218, %parallel_loop3A_176 : vector<16xf32>
        %parallel_loop3A_222 = arith.mulf %parallel_loop3A_176, %parallel_loop3A_176 : vector<16xf32>
        %parallel_loop3A_223 = arith.addf %parallel_loop3A_220, %parallel_loop3A_222 : vector<16xf32>
        %parallel_loop3A_224 = arith.addf %parallel_loop3A_221, %parallel_loop3A_184 : vector<16xf32>
        %parallel_loop3A_225 = arith.mulf %parallel_loop3A_184, %parallel_loop3A_184 : vector<16xf32>
        %parallel_loop3A_226 = arith.addf %parallel_loop3A_223, %parallel_loop3A_225 : vector<16xf32>
        %parallel_loop3A_227 = arith.addf %parallel_loop3A_224, %parallel_loop3A_192 : vector<16xf32>
        %parallel_loop3A_228 = arith.mulf %parallel_loop3A_192, %parallel_loop3A_192 : vector<16xf32>
        %parallel_loop3A_229 = arith.addf %parallel_loop3A_226, %parallel_loop3A_228 : vector<16xf32>
        %parallel_loop3A_230 = arith.addf %parallel_loop3A_227, %parallel_loop3A_200 : vector<16xf32>
        %parallel_loop3A_231 = arith.mulf %parallel_loop3A_200, %parallel_loop3A_200 : vector<16xf32>
        %parallel_loop3A_232 = arith.addf %parallel_loop3A_229, %parallel_loop3A_231 : vector<16xf32>
        %parallel_loop3A_233 = arith.addf %parallel_loop3A_230, %parallel_loop3A_208 : vector<16xf32>
        %parallel_loop3A_234 = arith.mulf %parallel_loop3A_208, %parallel_loop3A_208 : vector<16xf32>
        %parallel_loop3A_235 = arith.addf %parallel_loop3A_232, %parallel_loop3A_234 : vector<16xf32>
        %parallel_loop3A_236 = arith.addf %parallel_loop3A_233, %parallel_loop3A_216 : vector<16xf32>
        %parallel_loop3A_237 = arith.mulf %parallel_loop3A_216, %parallel_loop3A_216 : vector<16xf32>
        %parallel_loop3A_238 = arith.addf %parallel_loop3A_235, %parallel_loop3A_237 : vector<16xf32>
        %parallel_loop3A_239 = arith.constant 8 : i32
        %parallel_loop3A_240 = vector.broadcast %parallel_loop3A_239 : i32 to vector<16xi32>
        %parallel_loop3A_241 = arith.xori %iota3A, %parallel_loop3A_240 : vector<16xi32>
        %parallel_loop3A_242 = vector.shape_cast %parallel_loop3A_241 : vector<16xi32> to vector<16x1xi32>
        %parallel_loop3A_243 = vector.shape_cast %parallel_loop3A_242 : vector<16x1xi32> to vector<16xi32>
        %parallel_loop3A_244 = tpu.dynamic_gather %parallel_loop3A_236[%parallel_loop3A_243] in [0] : vector<16xf32>, vector<16xi32> -> vector<16xf32>
        %parallel_loop3A_245 = arith.addf %parallel_loop3A_236, %parallel_loop3A_244 : vector<16xf32>
        %parallel_loop3A_246 = arith.constant 4 : i32
        %parallel_loop3A_247 = vector.broadcast %parallel_loop3A_246 : i32 to vector<16xi32>
        %parallel_loop3A_248 = arith.xori %iota3A, %parallel_loop3A_247 : vector<16xi32>
        %parallel_loop3A_249 = vector.shape_cast %parallel_loop3A_248 : vector<16xi32> to vector<16x1xi32>
        %parallel_loop3A_250 = vector.shape_cast %parallel_loop3A_249 : vector<16x1xi32> to vector<16xi32>
        %parallel_loop3A_251 = tpu.dynamic_gather %parallel_loop3A_245[%parallel_loop3A_250] in [0] : vector<16xf32>, vector<16xi32> -> vector<16xf32>
        %parallel_loop3A_252 = arith.addf %parallel_loop3A_245, %parallel_loop3A_251 : vector<16xf32>
        %parallel_loop3A_253 = arith.constant 2 : i32
        %parallel_loop3A_254 = vector.broadcast %parallel_loop3A_253 : i32 to vector<16xi32>
        %parallel_loop3A_255 = arith.xori %iota3A, %parallel_loop3A_254 : vector<16xi32>
        %parallel_loop3A_256 = vector.shape_cast %parallel_loop3A_255 : vector<16xi32> to vector<16x1xi32>
        %parallel_loop3A_257 = vector.shape_cast %parallel_loop3A_256 : vector<16x1xi32> to vector<16xi32>
        %parallel_loop3A_258 = tpu.dynamic_gather %parallel_loop3A_252[%parallel_loop3A_257] in [0] : vector<16xf32>, vector<16xi32> -> vector<16xf32>
        %parallel_loop3A_259 = arith.addf %parallel_loop3A_252, %parallel_loop3A_258 : vector<16xf32>
        %parallel_loop3A_260 = arith.constant 1 : i32
        %parallel_loop3A_261 = vector.broadcast %parallel_loop3A_260 : i32 to vector<16xi32>
        %parallel_loop3A_262 = arith.xori %iota3A, %parallel_loop3A_261 : vector<16xi32>
        %parallel_loop3A_263 = vector.shape_cast %parallel_loop3A_262 : vector<16xi32> to vector<16x1xi32>
        %parallel_loop3A_264 = vector.shape_cast %parallel_loop3A_263 : vector<16x1xi32> to vector<16xi32>
        %parallel_loop3A_265 = tpu.dynamic_gather %parallel_loop3A_259[%parallel_loop3A_264] in [0] : vector<16xf32>, vector<16xi32> -> vector<16xf32>
        %parallel_loop3A_266 = arith.addf %parallel_loop3A_259, %parallel_loop3A_265 : vector<16xf32>
        %parallel_loop3A_267 = arith.constant 8 : i32
        %parallel_loop3A_268 = vector.broadcast %parallel_loop3A_267 : i32 to vector<16xi32>
        %parallel_loop3A_269 = arith.xori %iota3A, %parallel_loop3A_268 : vector<16xi32>
        %parallel_loop3A_270 = vector.shape_cast %parallel_loop3A_269 : vector<16xi32> to vector<16x1xi32>
        %parallel_loop3A_271 = vector.shape_cast %parallel_loop3A_270 : vector<16x1xi32> to vector<16xi32>
        %parallel_loop3A_272 = tpu.dynamic_gather %parallel_loop3A_238[%parallel_loop3A_271] in [0] : vector<16xf32>, vector<16xi32> -> vector<16xf32>
        %parallel_loop3A_273 = arith.addf %parallel_loop3A_238, %parallel_loop3A_272 : vector<16xf32>
        %parallel_loop3A_274 = arith.constant 4 : i32
        %parallel_loop3A_275 = vector.broadcast %parallel_loop3A_274 : i32 to vector<16xi32>
        %parallel_loop3A_276 = arith.xori %iota3A, %parallel_loop3A_275 : vector<16xi32>
        %parallel_loop3A_277 = vector.shape_cast %parallel_loop3A_276 : vector<16xi32> to vector<16x1xi32>
        %parallel_loop3A_278 = vector.shape_cast %parallel_loop3A_277 : vector<16x1xi32> to vector<16xi32>
        %parallel_loop3A_279 = tpu.dynamic_gather %parallel_loop3A_273[%parallel_loop3A_278] in [0] : vector<16xf32>, vector<16xi32> -> vector<16xf32>
        %parallel_loop3A_280 = arith.addf %parallel_loop3A_273, %parallel_loop3A_279 : vector<16xf32>
        %parallel_loop3A_281 = arith.constant 2 : i32
        %parallel_loop3A_282 = vector.broadcast %parallel_loop3A_281 : i32 to vector<16xi32>
        %parallel_loop3A_283 = arith.xori %iota3A, %parallel_loop3A_282 : vector<16xi32>
        %parallel_loop3A_284 = vector.shape_cast %parallel_loop3A_283 : vector<16xi32> to vector<16x1xi32>
        %parallel_loop3A_285 = vector.shape_cast %parallel_loop3A_284 : vector<16x1xi32> to vector<16xi32>
        %parallel_loop3A_286 = tpu.dynamic_gather %parallel_loop3A_280[%parallel_loop3A_285] in [0] : vector<16xf32>, vector<16xi32> -> vector<16xf32>
        %parallel_loop3A_287 = arith.addf %parallel_loop3A_280, %parallel_loop3A_286 : vector<16xf32>
        %parallel_loop3A_288 = arith.constant 1 : i32
        %parallel_loop3A_289 = vector.broadcast %parallel_loop3A_288 : i32 to vector<16xi32>
        %parallel_loop3A_290 = arith.xori %iota3A, %parallel_loop3A_289 : vector<16xi32>
        %parallel_loop3A_291 = vector.shape_cast %parallel_loop3A_290 : vector<16xi32> to vector<16x1xi32>
        %parallel_loop3A_292 = vector.shape_cast %parallel_loop3A_291 : vector<16x1xi32> to vector<16xi32>
        %parallel_loop3A_293 = tpu.dynamic_gather %parallel_loop3A_287[%parallel_loop3A_292] in [0] : vector<16xf32>, vector<16xi32> -> vector<16xf32>
        %parallel_loop3A_294 = arith.addf %parallel_loop3A_287, %parallel_loop3A_293 : vector<16xf32>
        %parallel_loop3A_295 = arith.constant 7.812500e-03 : f32
        %parallel_loop3A_296 = vector.broadcast %parallel_loop3A_295 : f32 to vector<16xf32>
        %parallel_loop3A_297 = arith.mulf %parallel_loop3A_266, %parallel_loop3A_296 : vector<16xf32>
        %parallel_loop3A_298 = arith.constant 7.812500e-03 : f32
        %parallel_loop3A_299 = vector.broadcast %parallel_loop3A_298 : f32 to vector<16xf32>
        %parallel_loop3A_300 = arith.mulf %parallel_loop3A_294, %parallel_loop3A_299 : vector<16xf32>
        %parallel_loop3A_301 = arith.mulf %parallel_loop3A_297, %parallel_loop3A_297 : vector<16xf32>
        %parallel_loop3A_302 = arith.subf %parallel_loop3A_300, %parallel_loop3A_301 : vector<16xf32>
        %parallel_loop3A_303 = arith.constant 9.99999996E-13 : f32
        %parallel_loop3A_304 = vector.broadcast %parallel_loop3A_303 : f32 to vector<16xf32>
        %parallel_loop3A_305 = arith.addf %parallel_loop3A_302, %parallel_loop3A_304 : vector<16xf32>
        %parallel_loop3A_306 = vector.bitcast %parallel_loop3A_305 : vector<16xf32> to vector<16xi32>
        %parallel_loop3A_307 = arith.constant 1 : i32
        %parallel_loop3A_308 = vector.broadcast %parallel_loop3A_307 : i32 to vector<16xi32>
        %parallel_loop3A_309 = arith.shrui %parallel_loop3A_306, %parallel_loop3A_308 : vector<16xi32>
        %parallel_loop3A_310 = arith.constant 1597463007 : i32
        %parallel_loop3A_311 = vector.broadcast %parallel_loop3A_310 : i32 to vector<16xi32>
        %parallel_loop3A_312 = arith.subi %parallel_loop3A_311, %parallel_loop3A_309 : vector<16xi32>
        %parallel_loop3A_313 = vector.bitcast %parallel_loop3A_312 : vector<16xi32> to vector<16xf32>
        %parallel_loop3A_314 = arith.constant 5.000000e-01 : f32
        %parallel_loop3A_315 = vector.broadcast %parallel_loop3A_314 : f32 to vector<16xf32>
        %parallel_loop3A_316 = arith.mulf %parallel_loop3A_305, %parallel_loop3A_315 : vector<16xf32>
        %parallel_loop3A_317 = arith.mulf %parallel_loop3A_316, %parallel_loop3A_313 : vector<16xf32>
        %parallel_loop3A_318 = arith.mulf %parallel_loop3A_317, %parallel_loop3A_313 : vector<16xf32>
        %parallel_loop3A_319 = arith.constant 1.500000e+00 : f32
        %parallel_loop3A_320 = vector.broadcast %parallel_loop3A_319 : f32 to vector<16xf32>
        %parallel_loop3A_321 = arith.subf %parallel_loop3A_320, %parallel_loop3A_318 : vector<16xf32>
        %parallel_loop3A_322 = arith.mulf %parallel_loop3A_313, %parallel_loop3A_321 : vector<16xf32>
        %parallel_loop3A_323 = arith.mulf %get3A_22, %parallel_loop3A_322 : vector<16xf32>
        %parallel_loop3A_324 = arith.subf %parallel_loop3A_160, %parallel_loop3A_297 : vector<16xf32>
        %parallel_loop3A_325 = arith.mulf %parallel_loop3A_324, %parallel_loop3A_323 : vector<16xf32>
        %parallel_loop3A_326 = arith.addf %parallel_loop3A_325, %get3A_38 : vector<16xf32>
        %parallel_loop3A_327 = arith.index_cast %parallel_loop3A_152 : i32 to index
        %parallel_loop3A_328 = arith.constant 0 : index
        %parallel_loop3A_329 = tpu.vector_load %arg13[%parallel_loop3A_327, %parallel_loop3A_328] {strides = array<i32>} : memref<128x128xf32, #tpu.memory_space<vmem>>, vector<16xf32>,
        tpu.vector_store %arg13[%parallel_loop3A_327, %parallel_loop3A_328], %parallel_loop3A_326 {strides = array<i32>} : memref<128x128xf32, #tpu.memory_space<vmem>>, vector<16xf32>,
        %parallel_loop3A_330 = arith.mulf %get3A_24, %parallel_loop3A_322 : vector<16xf32>
        %parallel_loop3A_331 = arith.subf %parallel_loop3A_168, %parallel_loop3A_297 : vector<16xf32>
        %parallel_loop3A_332 = arith.mulf %parallel_loop3A_331, %parallel_loop3A_330 : vector<16xf32>
        %parallel_loop3A_333 = arith.addf %parallel_loop3A_332, %get3A_40 : vector<16xf32>
        %parallel_loop3A_334 = arith.index_cast %parallel_loop3A_152 : i32 to index
        %parallel_loop3A_335 = arith.constant 16 : index
        %parallel_loop3A_336 = tpu.vector_load %arg13[%parallel_loop3A_334, %parallel_loop3A_335] {strides = array<i32>} : memref<128x128xf32, #tpu.memory_space<vmem>>, vector<16xf32>,
        tpu.vector_store %arg13[%parallel_loop3A_334, %parallel_loop3A_335], %parallel_loop3A_333 {strides = array<i32>} : memref<128x128xf32, #tpu.memory_space<vmem>>, vector<16xf32>,
        %parallel_loop3A_337 = arith.mulf %get3A_26, %parallel_loop3A_322 : vector<16xf32>
        %parallel_loop3A_338 = arith.subf %parallel_loop3A_176, %parallel_loop3A_297 : vector<16xf32>
        %parallel_loop3A_339 = arith.mulf %parallel_loop3A_338, %parallel_loop3A_337 : vector<16xf32>
        %parallel_loop3A_340 = arith.addf %parallel_loop3A_339, %get3A_42 : vector<16xf32>
        %parallel_loop3A_341 = arith.index_cast %parallel_loop3A_152 : i32 to index
        %parallel_loop3A_342 = arith.constant 32 : index
        %parallel_loop3A_343 = tpu.vector_load %arg13[%parallel_loop3A_341, %parallel_loop3A_342] {strides = array<i32>} : memref<128x128xf32, #tpu.memory_space<vmem>>, vector<16xf32>,
        tpu.vector_store %arg13[%parallel_loop3A_341, %parallel_loop3A_342], %parallel_loop3A_340 {strides = array<i32>} : memref<128x128xf32, #tpu.memory_space<vmem>>, vector<16xf32>,
        %parallel_loop3A_344 = arith.mulf %get3A_28, %parallel_loop3A_322 : vector<16xf32>
        %parallel_loop3A_345 = arith.subf %parallel_loop3A_184, %parallel_loop3A_297 : vector<16xf32>
        %parallel_loop3A_346 = arith.mulf %parallel_loop3A_345, %parallel_loop3A_344 : vector<16xf32>
        %parallel_loop3A_347 = arith.addf %parallel_loop3A_346, %get3A_44 : vector<16xf32>
        %parallel_loop3A_348 = arith.index_cast %parallel_loop3A_152 : i32 to index
        %parallel_loop3A_349 = arith.constant 48 : index
        %parallel_loop3A_350 = tpu.vector_load %arg13[%parallel_loop3A_348, %parallel_loop3A_349] {strides = array<i32>} : memref<128x128xf32, #tpu.memory_space<vmem>>, vector<16xf32>,
        tpu.vector_store %arg13[%parallel_loop3A_348, %parallel_loop3A_349], %parallel_loop3A_347 {strides = array<i32>} : memref<128x128xf32, #tpu.memory_space<vmem>>, vector<16xf32>,
        %parallel_loop3A_351 = arith.mulf %get3A_30, %parallel_loop3A_322 : vector<16xf32>
        %parallel_loop3A_352 = arith.subf %parallel_loop3A_192, %parallel_loop3A_297 : vector<16xf32>
        %parallel_loop3A_353 = arith.mulf %parallel_loop3A_352, %parallel_loop3A_351 : vector<16xf32>
        %parallel_loop3A_354 = arith.addf %parallel_loop3A_353, %get3A_46 : vector<16xf32>
        %parallel_loop3A_355 = arith.index_cast %parallel_loop3A_152 : i32 to index
        %parallel_loop3A_356 = arith.constant 64 : index
        %parallel_loop3A_357 = tpu.vector_load %arg13[%parallel_loop3A_355, %parallel_loop3A_356] {strides = array<i32>} : memref<128x128xf32, #tpu.memory_space<vmem>>, vector<16xf32>,
        tpu.vector_store %arg13[%parallel_loop3A_355, %parallel_loop3A_356], %parallel_loop3A_354 {strides = array<i32>} : memref<128x128xf32, #tpu.memory_space<vmem>>, vector<16xf32>,
        %parallel_loop3A_358 = arith.mulf %get3A_32, %parallel_loop3A_322 : vector<16xf32>
        %parallel_loop3A_359 = arith.subf %parallel_loop3A_200, %parallel_loop3A_297 : vector<16xf32>
        %parallel_loop3A_360 = arith.mulf %parallel_loop3A_359, %parallel_loop3A_358 : vector<16xf32>
        %parallel_loop3A_361 = arith.addf %parallel_loop3A_360, %get3A_48 : vector<16xf32>
        %parallel_loop3A_362 = arith.index_cast %parallel_loop3A_152 : i32 to index
        %parallel_loop3A_363 = arith.constant 80 : index
        %parallel_loop3A_364 = tpu.vector_load %arg13[%parallel_loop3A_362, %parallel_loop3A_363] {strides = array<i32>} : memref<128x128xf32, #tpu.memory_space<vmem>>, vector<16xf32>,
        tpu.vector_store %arg13[%parallel_loop3A_362, %parallel_loop3A_363], %parallel_loop3A_361 {strides = array<i32>} : memref<128x128xf32, #tpu.memory_space<vmem>>, vector<16xf32>,
        %parallel_loop3A_365 = arith.mulf %get3A_34, %parallel_loop3A_322 : vector<16xf32>
        %parallel_loop3A_366 = arith.subf %parallel_loop3A_208, %parallel_loop3A_297 : vector<16xf32>
        %parallel_loop3A_367 = arith.mulf %parallel_loop3A_366, %parallel_loop3A_365 : vector<16xf32>
        %parallel_loop3A_368 = arith.addf %parallel_loop3A_367, %get3A_50 : vector<16xf32>
        %parallel_loop3A_369 = arith.index_cast %parallel_loop3A_152 : i32 to index
        %parallel_loop3A_370 = arith.constant 96 : index
        %parallel_loop3A_371 = tpu.vector_load %arg13[%parallel_loop3A_369, %parallel_loop3A_370] {strides = array<i32>} : memref<128x128xf32, #tpu.memory_space<vmem>>, vector<16xf32>,
        tpu.vector_store %arg13[%parallel_loop3A_369, %parallel_loop3A_370], %parallel_loop3A_368 {strides = array<i32>} : memref<128x128xf32, #tpu.memory_space<vmem>>, vector<16xf32>,
        %parallel_loop3A_372 = arith.mulf %get3A_36, %parallel_loop3A_322 : vector<16xf32>
        %parallel_loop3A_373 = arith.subf %parallel_loop3A_216, %parallel_loop3A_297 : vector<16xf32>
        %parallel_loop3A_374 = arith.mulf %parallel_loop3A_373, %parallel_loop3A_372 : vector<16xf32>
        %parallel_loop3A_375 = arith.addf %parallel_loop3A_374, %get3A_52 : vector<16xf32>
        %parallel_loop3A_376 = arith.index_cast %parallel_loop3A_152 : i32 to index
        %parallel_loop3A_377 = arith.constant 112 : index
        %parallel_loop3A_378 = tpu.vector_load %arg13[%parallel_loop3A_376, %parallel_loop3A_377] {strides = array<i32>} : memref<128x128xf32, #tpu.memory_space<vmem>>, vector<16xf32>,
        tpu.vector_store %arg13[%parallel_loop3A_376, %parallel_loop3A_377], %parallel_loop3A_375 {strides = array<i32>} : memref<128x128xf32, #tpu.memory_space<vmem>>, vector<16xf32>,
      } {sc.loop_unroll_factor = 2 : i64, sc.parallel_access}
      %add3A_138 = arith.constant 2 : i32
      %add3A_139 = arith.addi %add3A_119, %add3A_138 : i32
      %lt3A_140 = arith.constant 50 : i32
      %lt3A_141 = arith.cmpi slt, %add3A_139, %lt3A_140 : i32
      %convert_element_type3A_142 = arith.extui %lt3A_141 : i1 to i32
      %cond3A_143 = arith.constant 0 : i32
      %cond3A_144 = arith.cmpi ne, %convert_element_type3A_142, %cond3A_143 : i32
      scf.if %cond3A_144 {
        %add3A_152 = arith.constant 2 : i32
        %add3A_153 = arith.addi %add3A_119, %add3A_152 : i32
        %dma_start3A_154 = arith.constant 0 : i32
        %dma_start3A_155 = tpu.memref_slice %arg9[%add3A_153, %dma_start3A_154] : memref<50x128xi32, #tpu.memory_space<vmem>> -> memref<1x128xi32, #tpu.memory_space<vmem>>
        %dma_start3A_156 = tpu.memref_squeeze %dma_start3A_155 : memref<1x128xi32, #tpu.memory_space<vmem>> -> memref<128xi32, #tpu.memory_space<vmem>>
        %dma_start3A_157 = arith.constant 0 : i32
        %dma_start3A_158 = arith.constant 0 : i32
        %dma_start3A_159 = tpu.memref_slice %arg7[%dma_start3A_157, %dma_start3A_158] : memref<100000x128xf32, #tpu.memory_space<hbm>> -> memref<100000x128xf32, #tpu.memory_space<hbm>>
        tpu.enqueue_indirect_dma source(%dma_start3A_159 : memref<100000x128xf32, #tpu.memory_space<hbm>>) target(%arg11 : memref<128x128xf32, #tpu.memory_space<vmem>>) offsets(%dma_start3A_156 : memref<128xi32, #tpu.memory_space<vmem>>) semaphore(%arg19 : memref<!tpu.dma_semaphore, #tpu.memory_space<semaphore_mem>>)
      } else {
      }
      %mul3A_145 = arith.constant 128 : i32
      %mul3A_146 = arith.muli %add3A_119, %mul3A_145 : i32
      %add3A_147 = arith.addi %mul3A_54, %mul3A_146 : i32
      %dma_start3A_148 = arith.constant 0 : i32
      %dma_start3A_149 = tpu.memref_slice %arg8[%add3A_147, %dma_start3A_148] : memref<204800x128xf32, #tpu.memory_space<hbm>> -> memref<128x128xf32, #tpu.memory_space<hbm>>
      %dma_start3A_150 = arith.constant 0 : i32
      %dma_start3A_151 = tpu.memref_slice %arg8[%add3A_147, %dma_start3A_150] : memref<204800x128xf32, #tpu.memory_space<hbm>> -> memref<128x128xf32, #tpu.memory_space<hbm>>
      tpu.enqueue_dma source(%arg13 : memref<128x128xf32, #tpu.memory_space<vmem>>) target(%dma_start3A_151 : memref<128x128xf32, #tpu.memory_space<hbm>>) target_semaphore(%arg21 : memref<!tpu.dma_semaphore, #tpu.memory_space<semaphore_mem>>)
    }
    %scan3A_73 = arith.constant 25 : i32
    %dma_wait3A = arith.constant 0 : i32
    %dma_wait3A_74 = arith.constant 0 : i32
    %dma_wait3A_75 = tpu.memref_slice %arg8[%dma_wait3A, %dma_wait3A_74] : memref<204800x128xf32, #tpu.memory_space<hbm>> -> memref<128x128xf32, #tpu.memory_space<hbm>>
    %dma_wait3A_76 = arith.constant 0 : i32
    %dma_wait3A_77 = arith.constant 0 : i32
    %dma_wait3A_78 = tpu.memref_slice %arg8[%dma_wait3A_76, %dma_wait3A_77] : memref<204800x128xf32, #tpu.memory_space<hbm>> -> memref<128x128xf32, #tpu.memory_space<hbm>>
    tpu.wait_dma2 semaphore(%arg20 : memref<!tpu.dma_semaphore, #tpu.memory_space<semaphore_mem>>) src(%arg12 : memref<128x128xf32, #tpu.memory_space<vmem>>) dst(%dma_wait3A_78 : memref<128x128xf32, #tpu.memory_space<hbm>>)
    %dma_wait3A_79 = arith.constant 0 : i32
    %dma_wait3A_80 = arith.constant 0 : i32
    %dma_wait3A_81 = tpu.memref_slice %arg8[%dma_wait3A_79, %dma_wait3A_80] : memref<204800x128xf32, #tpu.memory_space<hbm>> -> memref<128x128xf32, #tpu.memory_space<hbm>>
    %dma_wait3A_82 = arith.constant 0 : i32
    %dma_wait3A_83 = arith.constant 0 : i32
    %dma_wait3A_84 = tpu.memref_slice %arg8[%dma_wait3A_82, %dma_wait3A_83] : memref<204800x128xf32, #tpu.memory_space<hbm>> -> memref<128x128xf32, #tpu.memory_space<hbm>>
    tpu.wait_dma2 semaphore(%arg21 : memref<!tpu.dma_semaphore, #tpu.memory_space<semaphore_mem>>) src(%arg13 : memref<128x128xf32, #tpu.memory_space<vmem>>) dst(%dma_wait3A_84 : memref<128x128xf32, #tpu.memory_space<hbm>>)
    return
  }
}

</mosaic_0001>

<sc_bundles>
// kernel: kernel.3.cloned.1.call-start
scs
__scs_entry_jumppad:
0x0: {  	(pc) =	sbr.rel $0x88, $3  }
0x1: {  	(tag) =	ssettag $0x0;
	lr =	simm.s32 $0x1  }
0x2: {  	[smem:$0x3F9B] =	sst lr;
	_ =	strace $0xD0000000  }
0x3: {  	_ = 	snop  }
0x4: {  	_ = 	snop  }
0x5: {  	_ = 	snop  }
0x6: {  	_ = 	snop  }
0x7: {  	_ = 	snop  }
__scs_overlays_trampoline_lowered:
0x8: {  	[smem:$0x3FAA] =	sst s0  }
0x9: {  	[smem:$0x3FAB] =	sst s1  }
0xa: {  	[smem:$0x3FAC] =	sst s2  }
0xb: {  	[smem:$0x3FAD] =	sst s3  }
0xc: {  	[smem:$0x3FAE] =	sst s4  }
0xd: {  	[smem:$0x3FAF] =	sst s5  }
0xe: {  	[smem:$0x3FB0] =	sst s6  }
0xf: {  	[smem:$0x3FB1] =	sst s7  }
0x10: {  	[smem:$0x3FB2] =	sst s8  }
0x11: {  	[smem:$0x3FB3] =	sst s9;
	s0 =	simm.s32 @!p0 $0x0  }
0x12: {  	s1 =	sld [smem:$0x3F99];
	s0 =	simm.s32 @p0 $0x1  }
0x13: {  	[smem:$0x3FB4] =	sst s0;
	s0 =	simm.s32 @!p1 $0x0  }
0x14: {  	s2 =	sld [smem:$0x3F98];
	s0 =	simm.s32 @p1 $0x1  }
0x15: {  	[smem:$0x3FB5] =	sst s0;
	s0 =	simm.s32 @!p2 $0x0  }
0x16: {  	s3 =	sld [smem:$0x3FDB];
	s0 =	simm.s32 @p2 $0x1  }
0x17: {  	s4 =	simm.s32 $0x1BF5;
	[smem:$0x3FB7] =	sst s0  }
0x18: {  	s0 =	sld [smem:$0x3F9A];
	_ =	swait.ge [sflag:s4], $0x0  }
0x19: {  	s7 =	sld [smem:$0x3F9B]  }
0x1a: {  	s8 =	sadd.s32 $0xFFFFE003, lr  }
0x1b: {  	s9 =	sadd.s32 $0xFFFFFEF7, lr;
	s5 =	simm.s32 $0xFFFFFFFF;
	p2 =	slt.u32 s8, $0xFFFFF086  }
0x1c: {  	p1 =	slt.u32 s9, $0xF7A;
	s5 =	simm.s32 @!p2 $0x0  }
0x1d: {  	s5 =	simm.s32 @p1 $0x1;
	p0 =	seq.s32 s7, s2  }
0x1e: {  	s7 =	smul.u32 @!p0 $0xF7A, s2;
	p2 =	seq.s32 @!p0 s5, $0x0  }
0x1f: {  	s9 =	smul.u32 $0xF7A, s1;
	s8 =	simm.s32 @!p0 $0x1BF5;
	p2 =	por !p2, p0  }
0x20: {  	[sflag:s8] =	ssyncset.s32 @!p0 $0xFFFFF086;
	s6 =	sadd.s32 @!p0 s3, s7;
	s7 =	simm.s32 @!p0 $0x108  }
0x21: {  	s3 =	sadd.s32 s3, s9;
	s6 =	sadd.s32 @!p0 $0x88, s6;
	s7 =	simm.s32 @p2 $0x1082  }
0x22: {  	[simem:s7], [sflag:s8] =	dma.local @!p0 [hbm:s6], $0xF7A  }
0x23: {  	s9 =	sor.u32 $0xD0000000, s2;
	s6 =	simm.s32 $0x108;
	_ =	swait.ge @!p0 [sflag:s8], $0x0  }
0x24: {  	s3 =	sadd.s32 $0x88, s3;
	s6 =	simm.s32 @!p1 $0x1082;
	[sflag:s4] =	ssyncset.s32 $0xFFFFF086  }
0x25: {  	[simem:s6], [sflag:s4] =	dma.local [hbm:s3], $0xF7A  }
0x26: {  	[smem:$0x3F9B] =	sst s1;
	(tag) =	ssettag s2;
	_ =	strace s9  }
0x27: {  	s1 =	sld [smem:$0x3FAB]  }
0x28: {  	s2 =	sld [smem:$0x3FAC]  }
0x29: {  	s4 =	sld [smem:$0x3FAE]  }
0x2a: {  	p0 =	seq.s32 s5, $0x0;
	s5 =	sld [smem:$0x3FAF]  }
0x2b: {  	s6 =	sld [smem:$0x3FB0]  }
0x2c: {  	s7 =	sld [smem:$0x3FB1]  }
0x2d: {  	s3 =	simm.s32 $0x108;
	s8 =	sld [smem:$0x3FB2]  }
0x2e: {  	s3 =	simm.s32 @!p0 $0x1082;
	s9 =	sld [smem:$0x3FB3]  }
0x2f: {  	lr =	sadd.s32 s0, s3;
	s0 =	sld [smem:$0x3FAA]  }
0x30: {  	s3 =	sld [smem:$0x3FAD]  }
0x31: {  	[smem:$0x3FB6] =	sst s10  }
0x32: {  	s10 =	sld [smem:$0x3FB4];
	_ =	sdelay $0x3  }
0x33: {  	p0 =	seq.s32 s10, $0x1;
	s10 =	sld [smem:$0x3FB6];
	_ =	sdelay $0x3  }
0x34: {  	[smem:$0x3FB6] =	sst s10  }
0x35: {  	s10 =	sld [smem:$0x3FB5];
	_ =	sdelay $0x3  }
0x36: {  	p1 =	seq.s32 s10, $0x1;
	s10 =	sld [smem:$0x3FB6];
	_ =	sdelay $0x3  }
0x37: {  	[smem:$0x3FB6] =	sst s10  }
0x38: {  	s10 =	sld [smem:$0x3FB7]  }
0x39: {  	_ = 	snop;
	(pc) =	sbr.ind lr, $3  }
0x3a: {  	_ = 	snop  }
0x3b: {  	_ = 	snop  }
0x3c: {  	p2 =	seq.s32 s10, $0x1;
	s10 =	sld [smem:$0x3FB6]  }
0x3d: {  	_ =	shalt  }
0x3e: {  	_ =	shalt  }
0x3f: {  	_ =	shalt  }
0x40: {  	_ =	shalt  }
0x41: {  	_ =	shalt  }
0x42: {  	_ =	shalt  }
0x43: {  	_ =	shalt  }
0x44: {  	_ =	shalt  }
0x45: {  	_ =	shalt  }
0x46: {  	_ =	shalt  }
0x47: {  	_ =	shalt  }
0x48: {  	_ =	shalt  }
0x49: {  	_ =	shalt  }
0x4a: {  	_ =	shalt  }
0x4b: {  	_ =	shalt  }
0x4c: {  	_ =	shalt  }
0x4d: {  	_ =	shalt  }
0x4e: {  	_ =	shalt  }
0x4f: {  	_ =	shalt  }
0x50: {  	_ =	shalt  }
0x51: {  	_ =	shalt  }
0x52: {  	_ =	shalt  }
0x53: {  	_ =	shalt  }
0x54: {  	_ =	shalt  }
0x55: {  	_ =	shalt  }
0x56: {  	_ =	shalt  }
0x57: {  	_ =	shalt  }
0x58: {  	_ =	shalt  }
0x59: {  	_ =	shalt  }
0x5a: {  	_ =	shalt  }
0x5b: {  	_ =	shalt  }
0x5c: {  	_ =	shalt  }
0x5d: {  	_ =	shalt  }
0x5e: {  	_ =	shalt  }
0x5f: {  	_ =	shalt  }
0x60: {  	_ =	shalt  }
0x61: {  	_ =	shalt  }
0x62: {  	_ =	shalt  }
0x63: {  	_ =	shalt  }
0x64: {  	_ =	shalt  }
0x65: {  	_ =	shalt  }
0x66: {  	_ =	shalt  }
0x67: {  	_ =	shalt  }
0x68: {  	_ =	shalt  }
0x69: {  	_ =	shalt  }
0x6a: {  	_ =	shalt  }
0x6b: {  	_ =	shalt  }
0x6c: {  	_ =	shalt  }
0x6d: {  	_ =	shalt  }
0x6e: {  	_ =	shalt  }
0x6f: {  	_ =	shalt  }
0x70: {  	_ =	shalt  }
0x71: {  	_ =	shalt  }
0x72: {  	_ =	shalt  }
0x73: {  	_ =	shalt  }
0x74: {  	_ =	shalt  }
0x75: {  	_ =	shalt  }
0x76: {  	_ =	shalt  }
0x77: {  	_ =	shalt  }
0x78: {  	_ =	shalt  }
0x79: {  	_ =	shalt  }
0x7a: {  	_ =	shalt  }
0x7b: {  	_ =	shalt  }
0x7c: {  	_ =	shalt  }
0x7d: {  	_ =	shalt  }
0x7e: {  	_ =	shalt  }
0x7f: {  	_ =	shalt  }
0x80: {  	_ =	shalt  }
0x81: {  	_ =	shalt  }
0x82: {  	_ =	shalt  }
0x83: {  	_ =	shalt  }
0x84: {  	_ =	shalt  }
0x85: {  	_ =	shalt  }
0x86: {  	_ =	shalt  }
0x87: {  	_ =	shalt  }
.Lfunc_end0:
.L_simem_size_0:
called_computation_lowered:
.L_overlay_start_0:
0x88: {  	s2 =	sld [smem:$0x3FD9]  }
0x89: {  	s3 =	sld [smem:$0x3FFE];
	_ =	sdelay $0x1  }
0x8a: {  	s1 =	srdreg.scid  }
0x8b: {  	s0 =	sand.u32 $0x1, s1  }
0x8c: {  	s17 =	sshll.u32 s0, $0xA;
	s2 =	sadd.s32 s3, s2  }
0x8d: {  	s2 =	sadd.s32 s2, s17  }
0x8e: {  	[smem:$0x3FC2] =	sst s2  }
0x8f: {  	_ = 	snop  }
0x90: {  	s2 =	sld [smem:$0x3FC8]  }
0x91: {  	s18 =	sld [smem:$0x3FC5]  }
0x92: {  	s4 =	sld [smem:$0x3FC4]  }
0x93: {  	s5 =	sld [smem:$0x3FD0];
	(tm) =	ssettm $0x1  }
0x94: {  	s6 =	sld [smem:$0x3FFB];
	_ =	sdelay $0x3  }
0x95: {  	_ =	strace s6  }
0x96: {  	s6 =	sld [smem:$0x3FFC];
	_ =	sdelay $0x3  }
0x97: {  	_ =	strace s6  }
0x98: {  	s6 =	sld [smem:$0x3FFD];
	_ =	sdelay $0x3  }
0x99: {  	_ =	strace s6  }
0x9a: {  	_ =	strace $0x8FFFFFFF  }
0x9b: {  	s19 =	sld [smem:$0x3FDB];
	_ =	sdelay $0x1  }
0x9c: {  	s7 =	simm.s32 $_scs_section_size  }
0x9d: {  	s8 =	simm.s32 $_size__tile_overlayer_lowered;
	s9 =	simm.s32 $_tile_overlayer_lowered  }
0x9e: {  	s22 =	simm.s32 $0x1BFF;
	s21 =	sshll.u32 s9, $0x1;
	s6 =	sadd.s32 s7, s19  }
0x9f: {  	s10 =	simm.s32 $0x0;
	s20 =	sshll.u32 s8, $0x1;
	s8 =	sadd.s32 s21, s6  }
0xa0: {  	[timem:s10], [sflag:s22] =	dma.local [hbm:s8], s20  }
0xa1: {  	_ =	swait.ge [sflag:s22], s20  }
0xa2: {  	s7 =	ssub.s32 $0x0, s20;
	[sflag:s22] =	ssyncset.done $0x0  }
0xa3: {  	[sflag:s22] =	ssyncadd.s32 s7;
	_ =	sdelay $0x1  }
0xa4: {  	s23 =	simm.s32 $0x1B8B  }
0xa5: {  	_ =	swait.ge [sflag:s23], $0x1  }
0xa6: {  	[sflag:s23] =	ssyncset.done $0x0  }
0xa7: {  	s25 =	simm.s32 $0x1B8E;
	s24 =	sld [smem:$0x3FFE];
	[sflag:s23] =	ssyncadd.s32 $0xFFFFFFFF  }
0xa8: {  	s26 =	simm.s32 $execute0_lowered;
	[smem:$0x3FD2] =	sst s25  }
0xa9: {  	s8 =	sshll.u32 s26, $0x1;
	_ =	strace $0x80000046;
	[dreg:$0x1] =	wrdreg $0xFFFFFFFF  }
0xaa: {  	s28 =	simm.s32 $_size_execute0_lowered;
	s6 =	sadd.s32 s6, s8;
	[dreg:$0x0] =	wrdreg $0x0  }
0xab: {  	s8 =	sshll.u32 s28, $0x1;
	[dreg:$0x2] =	wrdreg s6  }
0xac: {  	[dreg:$0x3] =	wrdreg s8  }
0xad: {  	[dreg:$0x4] =	wrdreg $0xC0  }
0xae: {  	_ =	task [dreg:s10], $0x5FFFF  }
0xaf: {  	[dreg:$0x1] =	wrdreg $0xFFFFFFFF  }
0xb0: {  	[dreg:$0x0] =	wrdreg $0x60  }
0xb1: {  	[dreg:$0x2] =	wrdreg s24  }
0xb2: {  	[dreg:$0x3] =	wrdreg s18  }
0xb3: {  	[dreg:$0x4] =	wrdreg s4  }
0xb4: {  	[dreg:$0x5] =	wrdreg s2  }
0xb5: {  	[dreg:$0x6] =	wrdreg s5  }
0xb6: {  	[dreg:$0x7] =	wrdreg $0x9  }
0xb7: {  	_ =	task.clear_ibuf [dreg:s10], $0x8FFFF;
	_ =	strace $0x90000046  }
0xb8: {  	s29 =	simm.s32 $0x9;
	_ =	strace $0x80000048  }
0xb9: {  	_ =	swait.ge [sflag:s29], $0x1  }
0xba: {  	[sflag:s29] =	ssyncadd.s32 $0xFFFFFFFF  }
0xbb: {  	_ =	strace $0x90000048  }
0xbc: {  	_ =	sfence  }
0xbd: {  	s30 =	sld [smem:$0x0];
	_ =	sdelay $0x2  }
0xbe: {  	s31 =	sshll.u32 s1, $0xD;
	s1 =	sshrl.u32 s1, $0x2  }
0xbf: {  	s3 =	sand.u32 $0x4000, s31;
	s1 =	sadd.s32 s1, s30  }
0xc0: {  	s0 =	sor.u32 s3, s0;
	s1 =	sshll.u32 s1, $0x11  }
0xc1: {  	s0 =	sor.u32 s1, s0  }
0xc2: {  	s0 =	sadd.s32 $0x8F2B, s0  }
0xc3: {  	[sflag:s0] =	ssyncadd.remote.s32 $0x1  }
0xc4: {  	_ =	sfence.sel $0xFFFF  }
0xc5: {  	[dreg:$0x0] =	wrdreg $0xFFFFFFFF;
	(pc) =	sbr.abs _section_cstart, $3  }
0xc6: {  	[dreg:$0x1] =	wrdreg $0xFFFFFFFF  }
0xc7: {  	_ =	task.clear_ibuf [dreg:s10], $0x2FFFF;
	_ =	strace $0x9FFFFFFF  }
0xc8: {  	(tm) =	ssettm $0x7FFFFFFF  }
0xc9: {  	_ =	shalt  }
tec
execute0_lowered:
.L_overlay_start_1:
0x0: {  	(tag) =	ssettag $0x1  }
0x1: {  	v0 =	vimm.s32 $0xFEDCBA98;
	v1 =	vimm.s32 $0x76543210  }
0x2: {  	s0 =	rddreg [dreg:$0x0];
	s1 =	srdreg.scid;
	v2 =	vimm.s32 $0xBA98FEDC;
	v3 =	vimm.s32 $0x32107654;
	v4 =	vimm.s32 $0xDCFE98BA  }
0x3: {  	s2 =	stileid.u32;
	s3 =	rddreg [dreg:$0x3];
	v5 =	vimm.s32 $0x54761032;
	v6 =	vimm.s32 $0xEFCDAB89;
	v7 =	vimm.s32 $0x67452301  }
0x4: {  	s4 =	rddreg [dreg:$0x4];
	s5 =	simm.s32 $0x0;
	s13 =	simm.s32 $0x5;
	v0 =	vunpack.c.l.s4.s8 v0;
	v1 =	vunpack.c.l.s4.s8 v1;
	v2 =	vunpack.c.l.s4.s8 v2  }
0x5: {  	s18 =	simm.s32 $0x1C00;
	s19 =	simm.s32 $0x5C00;
	s20 =	simm.s32 $0x1;
	v3 =	vunpack.c.l.s4.s8 v3;
	v4 =	vunpack.c.l.s4.s8 v4;
	v5 =	vunpack.c.l.s4.s8 v5  }
0x6: {  	s21 =	simm.s32 $0x9C00;
	s22 =	simm.s32 $0x2;
	s23 =	simm.s32 $0xDC00;
	v6 =	vunpack.c.l.s4.s8 v6;
	v7 =	vunpack.c.l.s4.s8 v7;
	v0 =	vunpack.c.0.s8.s32 v0  }
0x7: {  	s24 =	simm.s32 $0x3;
	s1 =	sand.u32 $0x1, s1;
	s2 =	sshll.u32 s2, $0x1;
	v2 =	vunpack.c.0.s8.s32 v2;
	v3 =	vunpack.c.0.s8.s32 v3;
	v4 =	vunpack.c.0.s8.s32 v4  }
0x8: {  	s25 =	simm.s32 $0x4;
	s26 =	simm.s32 $0x0;
	s2 =	sor.u32 s1, s2;
	v5 =	vunpack.c.0.s8.s32 v5;
	v6 =	vunpack.c.0.s8.s32 v6;
	v7 =	vunpack.c.0.s8.s32 v7  }
0x9: {  	[smem:$0x7FF] =	sst s5;
	s1 =	ssub.s32 $0x2, s1;
	s6 =	smul.u32 $0x380, s2;
	v1 =	vunpack.c.0.s8.s32 v1;
	v2 =	vcombine.low v3, v2  }
0xa: {  	s7 =	sadd.s32 $0x600, s0;
	s8 =	sadd.s32 $0x400, s0;
	s9 =	sshrl.u32 s1, $0x1;
	v3 =	vcombine.low v5, v4;
	v4 =	vcombine.low v7, v6;
	v0 =	vand.u32 $0xF, v0  }
0xb: {  	_ =	strace $0x80000047;
	s31 =	ssub.s32 s1, s9;
	s6 =	sadd.s32 s6, s0;
	v0 =	vcombine.low v0, v1  }
0xc: {  	s10 =	smul.u32 $0x1900, s2;
	s11 =	smax.u32 s31, $0x1;
	s9 =	sadd.s32 $0x1400, s6;
	v1 =	vand.u32 $0xF, v2;
	v2 =	vand.u32 $0xF, v3;
	v3 =	vand.u32 $0xF, v4  }
.LBB2_1:
0xd: {  	s0 =	simm.s32 $0x11C00  }
0xe: {  	[tilespmem:s0], [sflag:$0x5] =	stream.linear.gather [hbm4b:s7+s5], $0x6400, $0x38;
	[tilespmem:$0x1BD80] =	vst v63  }
0xf: {  	_ =	swait.ge [sflag:s13], $0x6400  }
0x10: {  	[sflag:s13] =	ssyncset.done $0x0  }
0x11: {  	s17 =	simm.s32 $0x18000;
	[sflag:s13] =	ssyncadd.s32 $0xFFFF9C00  }
0x12: {  	[tilespmem:s17], [sflag:$0x5] =	stream.linear.gather [hbm4b:s7+s5], $0x3C00, $0x38;
	[tilespmem:$0x1BD80] =	vst v63  }
0x13: {  	_ =	swait.ge [sflag:s13], $0x3C00  }
0x14: {  	[sflag:s13] =	ssyncset.done $0x0  }
0x15: {  	s28 =	simm.s32 $0x1BC00;
	[sflag:s13] =	ssyncadd.s32 $0xFFFFC400  }
0x16: {  	[tilespmem:s28], [sflag:$0x5] =	stream.linear.gather [hbm4b:s8+s5], $0x80, $0x38;
	[tilespmem:$0x1BD80] =	vst v63  }
0x17: {  	_ =	swait.ge [sflag:s13], $0x80  }
0x18: {  	[sflag:s13] =	ssyncset.done $0x0  }
0x19: {  	[sflag:s13] =	ssyncadd.s32 $0xFFFFFF80  }
0x1a: {  	s1 =	simm.s32 $0x1BC80;
	s29 =	rddreg [dreg:$0x1]  }
0x1b: {  	[tilespmem:s1], [sflag:$0x5] =	stream.linear.gather [hbm4b:s29+s5], $0x80, $0x38;
	[tilespmem:$0x1BD80] =	vst v63  }
0x1c: {  	_ =	swait.ge [sflag:s13], $0x80  }
0x1d: {  	[sflag:s13] =	ssyncset.done $0x0  }
0x1e: {  	[sflag:s13] =	ssyncadd.s32 $0xFFFFFF80  }
0x1f: {  	s31 =	simm.s32 $0x1BD00;
	s30 =	rddreg [dreg:$0x2]  }
0x20: {  	[tilespmem:s31], [sflag:$0x5] =	stream.linear.gather [hbm4b:s30+s5], $0x80, $0x38;
	[tilespmem:$0x1BD80] =	vst v63  }
0x21: {  	_ =	swait.ge [sflag:s13], $0x80  }
0x22: {  	[sflag:s13] =	ssyncset.done $0x0  }
0x23: {  	[sflag:s13] =	ssyncadd.s32 $0xFFFFFF80  }
0x24: {  	[tilespmem:s5], [sflag:$0x5] =	stream.linear.gather [hbm4b:s9+s5], $0x1900, $0x38;
	[tilespmem:$0x1BD80] =	vst v63  }
0x25: {  	_ =	swait.ge [sflag:s13], $0x1900  }
0x26: {  	[sflag:s13] =	ssyncset.done $0x0  }
0x27: {  	[sflag:s13] =	ssyncadd.s32 $0xFFFFE700  }
0x28: {  	v10 =	vld [tilespmem:$0x1BC00]  }
0x29: {  	v11 =	vld [tilespmem:$0x1BC10]  }
0x2a: {  	v9 =	vld [tilespmem:$0x1BC20]  }
0x2b: {  	v8 =	vld [tilespmem:$0x1BC30]  }
0x2c: {  	v7 =	vld [tilespmem:$0x1BC40]  }
0x2d: {  	v6 =	vld [tilespmem:$0x1BC50]  }
0x2e: {  	v5 =	vld [tilespmem:$0x1BC60]  }
0x2f: {  	s0 =	simm.s32 $0x0;
	v4 =	vld [tilespmem:$0x1BC70]  }
0x30: {  	v15 =	vld [tilespmem:s0+$0x11C00]  }
0x31: {  	v17 =	vld [tilespmem:s0+$0x11C10]  }
0x32: {  	v16 =	vld [tilespmem:s0+$0x11C20]  }
0x33: {  	v14 =	vld [tilespmem:s0+$0x11C30]  }
0x34: {  	v12 =	vld [tilespmem:s0+$0x11C40]  }
0x35: {  	v13 =	vld [tilespmem:s0+$0x11C50];
	v18 =	vadd.f32 v15, v10  }
0x36: {  	s1 =	simm.s32 $0x200;
	v17 =	vadd.f32 v17, v11;
	v15 =	vld [tilespmem:s0+$0x11C60]  }
.LBB2_2:
0x37: {  	s2 =	sshra.s32 s1, $0x2;
	p0 =	sne.s32 s1, $0x27E00;
	[tilespmem:s0+$0x11C00] =	vst v18;
	v16 =	vadd.f32 v16, v9;
	v18 =	vld [tilespmem:s0+$0x11C70]  }
0x38: {  	v19 =	vld [tilespmem:s2+$0x11C00];
	[tilespmem:s0+$0x11C10] =	vst v17;
	v14 =	vadd.f32 v14, v8  }
0x39: {  	v17 =	vld [tilespmem:s2+$0x11C10];
	[tilespmem:s0+$0x11C20] =	vst v16;
	v12 =	vadd.f32 v12, v7  }
.Ltmp0:
0x3a: {  	v16 =	vld [tilespmem:s2+$0x11C20];
	[tilespmem:s0+$0x11C30] =	vst v14;
	v13 =	vadd.f32 v13, v6;
	(pc) =	sbr.rel @p0 .LBB2_2-.Ltmp0, $4  }
0x3b: {  	v14 =	vld [tilespmem:s2+$0x11C30];
	[tilespmem:s0+$0x11C40] =	vst v12;
	v15 =	vadd.f32 v15, v5  }
0x3c: {  	v12 =	vld [tilespmem:s2+$0x11C40];
	[tilespmem:s0+$0x11C50] =	vst v13;
	v20 =	vadd.f32 v18, v4  }
0x3d: {  	v18 =	vadd.f32 v19, v10;
	v13 =	vld [tilespmem:s2+$0x11C50];
	[tilespmem:s0+$0x11C60] =	vst v15  }
0x3e: {  	s1 =	sadd.s32 $0x200, s1;
	v17 =	vadd.f32 v17, v11;
	v15 =	vld [tilespmem:s2+$0x11C60];
	[tilespmem:s0+$0x11C70] =	vst v20;
	s0 =	smov.u32 s2  }
0x3f: {  	[tilespmem:s0+$0x11C00] =	vst v18;
	v9 =	vadd.f32 v16, v9;
	v10 =	vld [tilespmem:s0+$0x11C70]  }
0x40: {  	[tilespmem:s0+$0x11C10] =	vst v17;
	v8 =	vadd.f32 v14, v8  }
0x41: {  	[tilespmem:s0+$0x11C20] =	vst v9;
	v7 =	vadd.f32 v12, v7  }
0x42: {  	[tilespmem:s0+$0x11C30] =	vst v8;
	v6 =	vadd.f32 v13, v6  }
0x43: {  	[tilespmem:s0+$0x11C40] =	vst v7;
	v5 =	vadd.f32 v15, v5  }
0x44: {  	[tilespmem:s0+$0x11C50] =	vst v6;
	v4 =	vadd.f32 v10, v4  }
0x45: {  	[tilespmem:s0+$0x11C60] =	vst v5  }
0x46: {  	[tilespmem:s0+$0x11C70] =	vst v4  }
0x47: {  	v4 =	vld [tilespmem:$0x1BC80]  }
0x48: {  	v5 =	vld [tilespmem:$0x1BC90]  }
0x49: {  	v6 =	vld [tilespmem:$0x1BCA0]  }
0x4a: {  	v7 =	vld [tilespmem:$0x1BCB0]  }
0x4b: {  	v8 =	vld [tilespmem:$0x1BCC0]  }
0x4c: {  	v9 =	vld [tilespmem:$0x1BCD0]  }
0x4d: {  	v10 =	vld [tilespmem:$0x1BCE0]  }
0x4e: {  	v11 =	vld [tilespmem:$0x1BCF0]  }
0x4f: {  	v12 =	vld [tilespmem:$0x1BD00]  }
0x50: {  	v13 =	vld [tilespmem:$0x1BD10]  }
0x51: {  	v14 =	vld [tilespmem:$0x1BD20]  }
0x52: {  	v15 =	vld [tilespmem:$0x1BD30]  }
0x53: {  	v16 =	vld [tilespmem:$0x1BD40]  }
0x54: {  	v17 =	vld [tilespmem:$0x1BD50]  }
0x55: {  	s28 =	simm.s32 $0x80;
	s29 =	simm.s32 $0x0;
	v19 =	vld [tilespmem:$0x1BD70]  }
0x56: {  	v18 =	vld [tilespmem:$0x1BD60];
	[tilespmem:s18], [sflag:$0x1] =	stream.indirect.gather [hbm4b:s3+s28], $0x80, s29, s28, $0xb8  }
0x57: {  	s30 =	simm.s32 $0x11C80;
	s31 =	simm.s32 $0x15CF0;
	s6 =	simm.s32 $0x0  }
0x58: {  	[tilespmem:s19], [sflag:$0x2] =	stream.indirect.gather [hbm4b:s3+s28], $0x80, s28, s28, $0xb8;
	[tilespmem:$0x1BD80] =	vst v63  }
.LBB2_4:
0x59: {  	_ =	swait.ge [sflag:s20], $0x4000  }
0x5a: {  	p0 =	seq.s32 s6, $0x0;
	[sflag:s20] =	ssyncset.done $0x0  }
0x5b: {  	s1 =	simm.s32 @!p0 $0x3;
	[sflag:s20] =	ssyncadd.s32 $0xFFFFC000  }
0x5c: {  	s0 =	smulhi.u32 $0x51EB851F, s29;
	_ =	swait.ge @!p0 [sflag:s1], $0x4000  }
0x5d: {  	[sflag:s1] =	ssyncset.done @!p0 $0x0  }
0x5e: {  	s16 =	simm.s32 $0x1C80;
	s0 =	sshrl.u32 s0, $0x6;
	[sflag:s1] =	ssyncadd.s32 @!p0 $0xFFFFC000  }
0x5f: {  	s0 =	smul.u32 $0xFFFE7000, s0;
	v20 =	vld [tilespmem:s16+$0x20]  }
0x60: {  	v21 =	vld [tilespmem:s16+$0x0]  }
0x61: {  	s0 =	sshra.s32 s0, $0x2;
	v23 =	vld [tilespmem:s16+$0x10]  }
0x62: {  	s0 =	sadd.s32 s0, s30;
	v26 =	vld [tilespmem:s16+$0x30]  }
0x63: {  	v22 =	vld [tilespmem:s0+$0x0]  }
0x64: {  	v24 =	vld [tilespmem:s0+$0x10]  }
0x65: {  	v25 =	vld [tilespmem:s0+$0x20]  }
0x66: {  	v27 =	vld [tilespmem:s0+$0x30]  }
0x67: {  	v28 =	vld [tilespmem:s16+$0x40]  }
0x68: {  	v32 =	vld [tilespmem:s16+$0x60]  }
0x69: {  	v22 =	vadd.f32 v22, v21;
	v21 =	vld [tilespmem:s0+$0x40]  }
0x6a: {  	v23 =	vadd.f32 v24, v23;
	v24 =	vld [tilespmem:s16+$0x50]  }
0x6b: {  	v20 =	vadd.f32 v25, v20;
	v25 =	vld [tilespmem:s0+$0x50];
	v26 =	vadd.f32 v27, v26  }
0x6c: {  	v27 =	vld [tilespmem:s0+$0x60];
	v29 =	vmul.f32 v22, v22;
	v30 =	vmul.f32 v23, v23;
	v31 =	vadd.f32 v23, v22  }
0x6d: {  	v33 =	vld [tilespmem:s16+$0x70]  }
0x6e: {  	v34 =	vld [tilespmem:s0+$0xFFFFFF80];
	v29 =	vadd.f32 v30, v29;
	v30 =	vmul.f32 v20, v20;
	v31 =	vadd.f32 v20, v31  }
0x6f: {  	v35 =	vld [tilespmem:s0+$0xFFFFFF90];
	v28 =	vadd.f32 v21, v28  }
0x70: {  	v21 =	vld [tilespmem:s0+$0x70];
	v29 =	vadd.f32 v30, v29;
	v30 =	vmul.f32 v26, v26;
	v31 =	vadd.f32 v26, v31  }
0x71: {  	v24 =	vadd.f32 v25, v24;
	v25 =	vld [tilespmem:s16+$0xFFFFFF90];
	v32 =	vadd.f32 v27, v32  }
0x72: {  	v27 =	vld [tilespmem:s16+$0xFFFFFF80];
	v29 =	vadd.f32 v30, v29;
	v30 =	vmul.f32 v28, v28;
	v31 =	vadd.f32 v28, v31  }
0x73: {  	v36 =	vld [tilespmem:s16+$0xFFFFFFA0]  }
0x74: {  	v37 =	vld [tilespmem:s0+$0xFFFFFFA0];
	v29 =	vadd.f32 v30, v29;
	v30 =	vmul.f32 v24, v24;
	v31 =	vadd.f32 v24, v31  }
0x75: {  	v38 =	vld [tilespmem:s0+$0xFFFFFFB0];
	v33 =	vadd.f32 v21, v33  }
0x76: {  	v59 =	vld [tilespmem:s0+$0xFFFFFFC0];
	v29 =	vadd.f32 v30, v29;
	v30 =	vmul.f32 v32, v32;
	v21 =	vadd.f32 v32, v31  }
0x77: {  	v34 =	vadd.f32 v34, v27;
	v25 =	vadd.f32 v35, v25;
	v31 =	vld [tilespmem:s16+$0xFFFFFFB0]  }
0x78: {  	v27 =	vld [tilespmem:s16+$0xFFFFFFC0];
	v29 =	vadd.f32 v30, v29;
	v21 =	vadd.f32 v33, v21;
	v30 =	vmul.f32 v33, v33  }
0x79: {  	v39 =	vld [tilespmem:s16+$0xFFFFFFD0];
	v36 =	vadd.f32 v37, v36;
	v41 =	vadd.f32 v25, v34  }
0x7a: {  	v60 =	vld [tilespmem:s0+$0xFFFFFFD0];
	v29 =	vadd.f32 v30, v29;
	v30 =	vperm.xlane v21, v0  }
0x7b: {  	v61 =	vld [tilespmem:s16+$0xFFFFFFE0];
	v40 =	vmul.f32 v34, v34;
	v42 =	vmul.f32 v25, v25;
	v41 =	vadd.f32 v36, v41  }
0x7c: {  	v62 =	vld [tilespmem:s0+$0xFFFFFFE0];
	v31 =	vadd.f32 v38, v31;
	v21 =	vadd.f32 v21, v30;
	v30 =	vperm.xlane v29, v0  }
0x7d: {  	v43 =	vmul.f32 v36, v36;
	v40 =	vadd.f32 v42, v40;
	v35 =	vadd.f32 v59, v27  }
0x7e: {  	v41 =	vadd.f32 v31, v41;
	v44 =	vperm.xlane v21, v1;
	v29 =	vadd.f32 v30, v29  }
0x7f: {  	v45 =	vld [tilespmem:s0+$0xFFFFFFF0];
	v37 =	vadd.f32 v60, v39;
	v40 =	vadd.f32 v43, v40;
	v30 =	vmul.f32 v31, v31  }
0x80: {  	v27 =	vld [tilespmem:s16+$0xFFFFFFF0];
	v41 =	vadd.f32 v35, v41;
	v21 =	vadd.f32 v21, v44;
	v63 =	vperm.xlane v29, v1  }
0x81: {  	v46 =	vmul.f32 v35, v35;
	v38 =	vadd.f32 v62, v61;
	v30 =	vadd.f32 v30, v40  }
0x82: {  	v41 =	vadd.f32 v37, v41;
	v47 =	vperm.xlane v21, v2;
	v29 =	vadd.f32 v63, v29  }
0x83: {  	v48 =	vmul.f32 v37, v37;
	v30 =	vadd.f32 v46, v30  }
0x84: {  	v41 =	vadd.f32 v38, v41;
	v49 =	vadd.f32 v21, v47;
	v50 =	vperm.xlane v29, v2  }
0x85: {  	v21 =	vadd.f32 v45, v27;
	v27 =	vmul.f32 v38, v38;
	v30 =	vadd.f32 v48, v30  }
0x86: {  	v51 =	vperm.xlane v49, v3;
	v29 =	vadd.f32 v50, v29  }
0x87: {  	v52 =	vmul.f32 v21, v21;
	v41 =	vadd.f32 v21, v41;
	v27 =	vadd.f32 v27, v30  }
0x88: {  	v30 =	vadd.f32 v49, v51;
	v53 =	vperm.xlane v29, v3  }
0x89: {  	v54 =	vperm.xlane v41, v0;
	v27 =	vadd.f32 v52, v27  }
0x8a: {  	v29 =	vadd.f32 v53, v29;
	v55 =	vmul.f32 $7.812500000e-03, v30  }
0x8b: {  	v30 =	vadd.f32 v41, v54;
	v40 =	vperm.xlane v27, v0  }
0x8c: {  	v29 =	vmul.f32 $7.812500000e-03, v29;
	v56 =	vmul.f32 v55, v55  }
0x8d: {  	v42 =	vperm.xlane v30, v1  }
0x8e: {  	v27 =	vadd.f32 v40, v27;
	v29 =	vsub.f32 v29, v56  }
0x8f: {  	v30 =	vadd.f32 v30, v42  }
0x90: {  	v40 =	vperm.xlane v27, v1;
	v29 =	vadd.f32 $9.999999960e-13, v29  }
0x91: {  	v57 =	vperm.xlane v30, v2  }
0x92: {  	v27 =	vadd.f32 v40, v27;
	v58 =	vshrl.u32 v29, $0x1;
	v29 =	vmul.f32 $5.000000000e-01, v29  }
0x93: {  	v30 =	vadd.f32 v30, v57;
	v40 =	vsub.s32 $0x5F3759DF, v58  }
0x94: {  	v59 =	vperm.xlane v27, v2;
	v29 =	vmul.f32 v40, v29  }
0x95: {  	v60 =	vperm.xlane v30, v3  }
0x96: {  	v27 =	vadd.f32 v59, v27;
	v29 =	vmul.f32 v40, v29  }
0x97: {  	v30 =	vadd.f32 v30, v60  }
0x98: {  	v42 =	vsub.f32 v20, v55;
	v41 =	vperm.xlane v27, v3;
	v20 =	vsub.f32 $1.500000000e+00, v29  }
0x99: {  	s2 =	simm.s32 $0x1D80;
	v22 =	vsub.f32 v22, v55;
	v23 =	vsub.f32 v23, v55;
	v43 =	vmul.f32 $7.812500000e-03, v30  }
0x9a: {  	v44 =	vld [tilespmem:s2+$0x0];
	v41 =	vadd.f32 v41, v27;
	v27 =	vmul.f32 v40, v20;
	v20 =	vsub.f32 v32, v55  }
0x9b: {  	s1 =	sadd.s32 $0x100, s0;
	v26 =	vsub.f32 v26, v55;
	v45 =	vsub.f32 v28, v55;
	v29 =	vld [tilespmem:s2+$0x20]  }
0x9c: {  	v33 =	vsub.f32 v33, v55;
	v30 =	vsub.f32 v24, v55;
	v24 =	vld [tilespmem:s1+$0x0];
	v28 =	vmul.f32 v43, v43;
	[tilespmem:$0x1FFF0] =	vst v20  }
0x9d: {  	v61 =	vmul.f32 $7.812500000e-03, v41;
	v46 =	vsub.f32 v34, v43;
	v25 =	vsub.f32 v25, v43;
	v40 =	vld [tilespmem:s2+$0x10]  }
0x9e: {  	v52 =	vsub.f32 v36, v43;
	v54 =	vsub.f32 v31, v43;
	v63 =	vld [tilespmem:s1+$0x10]  }
0x9f: {  	v35 =	vsub.f32 v35, v43;
	v62 =	vmul.f32 v27, v11;
	v28 =	vsub.f32 v61, v28;
	v48 =	vld [tilespmem:s1+$0x20]  }
0xa0: {  	v56 =	vsub.f32 v37, v43;
	v59 =	vmul.f32 v27, v4;
	v47 =	vmul.f32 v27, v5;
	v50 =	vld [tilespmem:s2+$0x30]  }
0xa1: {  	v49 =	vmul.f32 v27, v6;
	v51 =	vmul.f32 v27, v7;
	v60 =	vld [tilespmem:s1+$0x30];
	v28 =	vadd.f32 $9.999999960e-13, v28  }
0xa2: {  	v53 =	vmul.f32 v27, v8;
	v31 =	vld [tilespmem:s2+$0x40];
	v32 =	vadd.f32 v24, v44;
	v41 =	vmul.f32 v62, v33  }
0xa3: {  	v37 =	vld [tilespmem:s1+$0x40];
	v55 =	vmul.f32 v59, v22;
	v47 =	vmul.f32 v47, v23;
	v22 =	vshrl.u32 v28, $0x1  }
0xa4: {  	v24 =	vld [tilespmem:s2+$0x50];
	v61 =	vmul.f32 $5.000000000e-01, v28;
	v28 =	vsub.f32 v38, v43;
	v33 =	vadd.f32 v63, v40  }
0xa5: {  	v57 =	vld [tilespmem:s2+$0x60];
	v62 =	vmul.f32 v32, v32;
	v43 =	vsub.f32 v21, v43;
	v41 =	vadd.f32 v41, v19  }
0xa6: {  	v23 =	vld [tilespmem:s1+$0x60];
	v22 =	vsub.s32 $0x5F3759DF, v22;
	v29 =	vadd.f32 v48, v29;
	v63 =	vmul.f32 v33, v33  }
0xa7: {  	v38 =	vld [tilespmem:s1+$0x50];
	v55 =	vadd.f32 v55, v12;
	v39 =	vmul.f32 v22, v61;
	v44 =	vadd.f32 v33, v32  }
0xa8: {  	v34 =	vadd.f32 v60, v50;
	v48 =	vld [tilespmem:s2+$0x70];
	v61 =	vmul.f32 v29, v29;
	v59 =	vadd.f32 v63, v62  }
0xa9: {  	v50 =	vmul.f32 v51, v26;
	v51 =	vld [tilespmem:s1+$0xFFFFFF90];
	v60 =	vadd.f32 v29, v44;
	v62 =	vmul.f32 v22, v39  }
0xaa: {  	v40 =	vld [tilespmem:s2+$0xFFFFFFA0];
	v39 =	vadd.f32 v37, v31;
	v31 =	vadd.f32 v61, v59;
	v59 =	vmul.f32 v34, v34  }
0xab: {  	v42 =	vmul.f32 v49, v42;
	v63 =	vld [tilespmem:s1+$0x70];
	v58 =	vadd.f32 v34, v60;
	v26 =	vsub.f32 $1.500000000e+00, v62  }
0xac: {  	v49 =	vadd.f32 v38, v24;
	v44 =	vld [tilespmem:s1+$0xFFFFFF80];
	v61 =	vmul.f32 v39, v39;
	v60 =	vadd.f32 v59, v31  }
0xad: {  	v36 =	vadd.f32 v39, v58;
	v31 =	vmul.f32 v53, v45;
	v45 =	vmul.f32 v22, v26;
	v22 =	vld [tilespmem:s2+$0xFFFFFF80]  }
0xae: {  	v47 =	vadd.f32 v47, v13;
	v24 =	vld [tilespmem:s2+$0xFFFFFF90];
	v53 =	vadd.f32 v23, v57  }
0xaf: {  	v62 =	vmul.f32 v49, v49;
	v59 =	vld [tilespmem:s2+$0xFFFFFFB0];
	v23 =	vadd.f32 v61, v60;
	v26 =	vadd.f32 v49, v36  }
0xb0: {  	v57 =	vmul.f32 v45, v4;
	v58 =	vmul.f32 v45, v5;
	v36 =	vadd.f32 v63, v48;
	v48 =	vld [tilespmem:s1+$0xFFFFFFA0]  }
0xb1: {  	v37 =	vmul.f32 v53, v53;
	v61 =	vld [tilespmem:s1+$0xFFFFFFB0];
	v23 =	vadd.f32 v62, v23;
	v26 =	vadd.f32 v53, v26  }
0xb2: {  	v21 =	vmul.f32 v45, v6;
	v63 =	vld [tilespmem:s2+$0xFFFFFFC0];
	v62 =	vmul.f32 v36, v36;
	v38 =	vadd.f32 v44, v22  }
0xb3: {  	v44 =	vmul.f32 v58, v25;
	v25 =	vld [tilespmem:s2+$0xFFFFFFD0];
	v23 =	vadd.f32 v37, v23;
	v26 =	vadd.f32 v36, v26  }
0xb4: {  	v60 =	vmul.f32 v45, v7;
	v46 =	vmul.f32 v57, v46;
	v58 =	vld [tilespmem:s1+$0xFFFFFFD0];
	v37 =	vadd.f32 v51, v24  }
0xb5: {  	v24 =	vld [tilespmem:s1+$0xFFFFFFC0];
	v51 =	vmul.f32 v21, v52;
	v23 =	vadd.f32 v62, v23;
	v22 =	vperm.xlane v26, v0  }
0xb6: {  	v52 =	vmul.f32 v38, v38;
	v57 =	vadd.f32 v37, v38;
	v62 =	vmul.f32 v37, v37  }
0xb7: {  	v26 =	vadd.f32 v26, v22;
	v20 =	vperm.xlane v23, v0;
	v22 =	vadd.f32 v48, v40  }
0xb8: {  	v54 =	vmul.f32 v60, v54;
	v21 =	vadd.f32 v61, v59;
	v48 =	vadd.f32 v62, v52  }
0xb9: {  	v40 =	vld [tilespmem:s2+$0xFFFFFFE0];
	v59 =	vperm.xlane v26, v1;
	v20 =	vadd.f32 v20, v23;
	v57 =	vadd.f32 v22, v57  }
0xba: {  	v52 =	vld [tilespmem:s1+$0xFFFFFFE0];
	v23 =	vadd.f32 v24, v63;
	v61 =	vmul.f32 v22, v22;
	v24 =	vadd.f32 v58, v25  }
0xbb: {  	v60 =	vld [tilespmem:s2+$0xFFFFFFF0];
	v25 =	vmul.f32 v45, v8;
	v26 =	vadd.f32 v26, v59;
	v63 =	vperm.xlane v20, v1  }
0xbc: {  	v62 =	vld [tilespmem:s1+$0xFFFFFFF0];
	v58 =	vmul.f32 v21, v21;
	v48 =	vadd.f32 v61, v48;
	v57 =	vadd.f32 v21, v57  }
0xbd: {  	v42 =	vadd.f32 v42, v14;
	v61 =	vmul.f32 v25, v35;
	v20 =	vadd.f32 v63, v20  }
0xbe: {  	v59 =	vperm.xlane v26, v2;
	v35 =	vadd.f32 v58, v48;
	v48 =	vadd.f32 v23, v57  }
0xbf: {  	v50 =	vadd.f32 v50, v15;
	v25 =	vadd.f32 v52, v40;
	v40 =	vmul.f32 v23, v23  }
0xc0: {  	v52 =	vadd.f32 v26, v59;
	v63 =	vperm.xlane v20, v2;
	v48 =	vadd.f32 v24, v48  }
0xc1: {  	v26 =	vadd.f32 v62, v60;
	v35 =	vadd.f32 v40, v35;
	v60 =	vmul.f32 v24, v24  }
0xc2: {  	v20 =	vadd.f32 v63, v20;
	v62 =	vperm.xlane v52, v3;
	v48 =	vadd.f32 v25, v48  }
0xc3: {  	v57 =	vmul.f32 v27, v9;
	v35 =	vadd.f32 v60, v35;
	v63 =	vmul.f32 v25, v25  }
0xc4: {  	v52 =	vadd.f32 v52, v62;
	v60 =	vperm.xlane v20, v3;
	v48 =	vadd.f32 v26, v48  }
0xc5: {  	v35 =	vadd.f32 v63, v35;
	v62 =	vmul.f32 v45, v9;
	v63 =	vmul.f32 v26, v26  }
0xc6: {  	v20 =	vadd.f32 v60, v20;
	v52 =	vmul.f32 $7.812500000e-03, v52;
	v60 =	vperm.xlane v48, v0  }
0xc7: {  	v59 =	vmul.f32 v27, v10;
	v40 =	vmul.f32 v62, v56;
	v58 =	vadd.f32 v63, v35  }
0xc8: {  	v20 =	vmul.f32 $7.812500000e-03, v20;
	v62 =	vmul.f32 v52, v52;
	v27 =	vadd.f32 v48, v60  }
0xc9: {  	v46 =	vadd.f32 v46, v12;
	v44 =	vadd.f32 v44, v13;
	v63 =	vperm.xlane v58, v0  }
0xca: {  	s12 =	simm.s32 $0x9C80;
	v35 =	vsub.f32 v32, v52;
	v20 =	vsub.f32 v20, v62;
	v62 =	vperm.xlane v27, v1  }
0xcb: {  	[tilespmem:s12+$0x70] =	vst v41;
	v60 =	vmul.f32 v45, v10;
	v32 =	vsub.f32 v33, v52;
	v48 =	vadd.f32 v63, v58  }
0xcc: {  	[tilespmem:s12+$0x0] =	vst v55;
	v45 =	vmul.f32 v45, v11;
	v63 =	vadd.f32 v27, v62;
	v20 =	vadd.f32 $9.999999960e-13, v20  }
0xcd: {  	[tilespmem:s12+$0x10] =	vst v47;
	v33 =	vsub.f32 v29, v52;
	v41 =	vmul.f32 v60, v28;
	v28 =	vperm.xlane v48, v1  }
0xce: {  	[tilespmem:s12+$0x20] =	vst v42;
	v55 =	vperm.xlane v63, v2;
	v58 =	vshrl.u32 v20, $0x1;
	v20 =	vmul.f32 $5.000000000e-01, v20  }
0xcf: {  	[tilespmem:s12+$0x30] =	vst v50;
	v29 =	vsub.f32 v39, v52;
	v60 =	vadd.f32 v28, v48;
	v47 =	vsub.s32 $0x5F3759DF, v58  }
0xd0: {  	[tilespmem:s12+$0xFFFFFF80] =	vst v46;
	v56 =	vadd.f32 v40, v17;
	v39 =	vadd.f32 v63, v55;
	v20 =	vmul.f32 v47, v20  }
0xd1: {  	[tilespmem:s12+$0xFFFFFF90] =	vst v44;
	v28 =	vsub.f32 v53, v52;
	v53 =	vadd.f32 v54, v15;
	v62 =	vperm.xlane v60, v2  }
0xd2: {  	[tilespmem:s12+$0xFFFFFFD0] =	vst v56;
	v63 =	vadd.f32 v51, v14;
	v54 =	vperm.xlane v39, v3;
	v20 =	vmul.f32 v47, v20  }
0xd3: {  	v43 =	vmul.f32 v45, v43;
	v55 =	vadd.f32 v61, v16;
	[tilespmem:s12+$0xFFFFFFB0] =	vst v53;
	v42 =	vadd.f32 v62, v60  }
0xd4: {  	v30 =	vmul.f32 v57, v30;
	[tilespmem:s12+$0xFFFFFFA0] =	vst v63;
	v39 =	vadd.f32 v39, v54;
	v20 =	vsub.f32 $1.500000000e+00, v20  }
0xd5: {  	s17 =	smulhi.u32 $0x51EB851F, s28;
	v34 =	vsub.f32 v34, v52;
	v43 =	vadd.f32 v43, v19;
	[tilespmem:s12+$0xFFFFFFC0] =	vst v55;
	v46 =	vperm.xlane v42, v3  }
0xd6: {  	v58 =	vadd.f32 v41, v18;
	v41 =	vmul.f32 $7.812500000e-03, v39;
	v40 =	vmul.f32 v47, v20;
	v20 =	vld [tilespmem:$0x1FFF0]  }
0xd7: {  	s0 =	sshrl.u32 s17, $0x6;
	v60 =	vadd.f32 v31, v16;
	v31 =	vadd.f32 v46, v42  }
0xd8: {  	s0 =	smul.u32 $0xFFFE7000, s0;
	v27 =	vsub.f32 v49, v52;
	v61 =	vadd.f32 v30, v17;
	[tilespmem:s12+$0xFFFFFFE0] =	vst v58;
	v42 =	vmul.f32 v41, v41  }
0xd9: {  	s14 =	sshll.u32 s6, $0xA;
	v63 =	vsub.f32 v36, v52;
	[tilespmem:s12+$0xFFFFFFF0] =	vst v43;
	v62 =	vmul.f32 v40, v11;
	v39 =	vmul.f32 $7.812500000e-03, v31  }
0xda: {  	s15 =	simm.s32 $0x9C80;
	s17 =	simm.s32 $0x1E80;
	s0 =	sshra.s32 s0, $0x2;
	[tilespmem:s12+$0x40] =	vst v60;
	v36 =	vsub.f32 v38, v41;
	v31 =	vmul.f32 v40, v4;
	v30 =	vmul.f32 v40, v5  }
0xdb: {  	s16 =	simm.s32 $0x2;
	s2 =	sadd.s32 s0, s31;
	s0 =	sshll.u32 s6, $0x8;
	[tilespmem:s12+$0x50] =	vst v61;
	v37 =	vsub.f32 v37, v41;
	v38 =	vmul.f32 v62, v63;
	v20 =	vmul.f32 v59, v20  }
.LBB2_5:
0xdc: {  	v43 =	vld [tilespmem:s17+$0x20];
	v39 =	vsub.f32 v39, v42;
	v42 =	vmul.f32 v40, v6;
	v44 =	vmul.f32 v40, v7  }
0xdd: {  	v46 =	vmul.f32 v40, v8;
	v47 =	vmul.f32 v40, v9;
	s1 =	sadd.s32 $0x100, s1;
	v45 =	vld [tilespmem:s17+$0x0];
	v38 =	vadd.f32 v38, v19  }
0xde: {  	v22 =	vsub.f32 v22, v41;
	v49 =	vmul.f32 v40, v10;
	s12 =	sadd.s32 $0x100, s12;
	v48 =	vld [tilespmem:s1+$0x0];
	v39 =	vadd.f32 $9.999999960e-13, v39  }
0xdf: {  	v21 =	vsub.f32 v21, v41;
	v23 =	vsub.f32 v23, v41;
	v31 =	vmul.f32 v31, v35;
	v50 =	vld [tilespmem:s17+$0x10];
	[tilespmem:s12+$0x70] =	vst v38  }
0xe0: {  	s16 =	sadd.s32 $0x2, s16;
	v40 =	vsub.f32 v24, v41;
	v51 =	vld [tilespmem:s1+$0x10];
	v35 =	vshrl.u32 v39, $0x1;
	v39 =	vmul.f32 $5.000000000e-01, v39  }
0xe1: {  	p1 =	slt.u32 s16, $0x7E;
	v38 =	vsub.f32 v26, v41;
	v24 =	vld [tilespmem:s1+$0x20];
	v52 =	vsub.s32 $0x5F3759DF, v35;
	v35 =	vsub.f32 v25, v41  }
0xe2: {  	v30 =	vmul.f32 v30, v32;
	v31 =	vadd.f32 v31, v12;
	v25 =	vld [tilespmem:s17+$0x30];
	v26 =	vmul.f32 v52, v39  }
0xe3: {  	v20 =	vadd.f32 v20, v18;
	v33 =	vmul.f32 v42, v33;
	v34 =	vmul.f32 v44, v34;
	v39 =	vld [tilespmem:s1+$0x30]  }
0xe4: {  	v42 =	vadd.f32 v30, v13;
	v30 =	vmul.f32 v46, v29;
	v41 =	vld [tilespmem:s17+$0x40];
	v26 =	vmul.f32 v52, v26;
	[tilespmem:s12+$0x0] =	vst v31  }
0xe5: {  	v29 =	vadd.f32 v48, v45;
	v31 =	vmul.f32 v47, v27;
	v32 =	vadd.f32 v51, v50;
	v44 =	vld [tilespmem:s1+$0x40];
	[tilespmem:s15+$0x60] =	vst v20;
	s15 =	smov.u32 s12  }
0xe6: {  	v20 =	vmul.f32 v49, v28;
	v27 =	vadd.f32 v24, v43;
	v24 =	vld [tilespmem:s17+$0x50];
	v26 =	vsub.f32 $1.500000000e+00, v26;
	[tilespmem:s12+$0x10] =	vst v42  }
0xe7: {  	v43 =	vmul.f32 v29, v29;
	v42 =	vld [tilespmem:s1+$0x50];
	v45 =	vadd.f32 v32, v29;
	v46 =	vmul.f32 v32, v32  }
0xe8: {  	v33 =	vadd.f32 v33, v14;
	v28 =	vadd.f32 v39, v25;
	v25 =	vld [tilespmem:s17+$0x60];
	v26 =	vmul.f32 v52, v26  }
0xe9: {  	v39 =	vld [tilespmem:s1+$0x60];
	v43 =	vadd.f32 v46, v43;
	v45 =	vadd.f32 v27, v45;
	v46 =	vmul.f32 v27, v27  }
0xea: {  	v41 =	vadd.f32 v44, v41;
	v44 =	vld [tilespmem:s17+$0x70];
	v47 =	vmul.f32 v26, v4;
	v48 =	vmul.f32 v26, v5;
	[tilespmem:s12+$0x20] =	vst v33  }
0xeb: {  	v33 =	vld [tilespmem:s1+$0x70];
	v43 =	vadd.f32 v46, v43;
	v45 =	vadd.f32 v28, v45;
	v46 =	vmul.f32 v28, v28  }
0xec: {  	v50 =	vmul.f32 v26, v7;
	v49 =	vld [tilespmem:s1+$0xFFFFFF80];
	v42 =	vadd.f32 v42, v24;
	v24 =	vmul.f32 v26, v6  }
0xed: {  	v52 =	vmul.f32 v41, v41;
	v51 =	vld [tilespmem:s17+$0xFFFFFF90];
	v46 =	vadd.f32 v46, v43;
	v45 =	vadd.f32 v41, v45  }
0xee: {  	v54 =	vmul.f32 v26, v9;
	v53 =	vld [tilespmem:s1+$0xFFFFFF90];
	v43 =	vadd.f32 v39, v25;
	v25 =	vmul.f32 v26, v8  }
0xef: {  	v55 =	vld [tilespmem:s17+$0xFFFFFF80];
	v46 =	vadd.f32 v52, v46;
	v45 =	vadd.f32 v42, v45;
	v52 =	vmul.f32 v42, v42  }
0xf0: {  	v56 =	vld [tilespmem:s17+$0xFFFFFFA0];
	v39 =	vadd.f32 v33, v44;
	v33 =	vmul.f32 v26, v10;
	v44 =	vmul.f32 v26, v11  }
0xf1: {  	v26 =	vld [tilespmem:s1+$0xFFFFFFA0];
	v46 =	vadd.f32 v52, v46;
	v45 =	vadd.f32 v43, v45;
	v52 =	vmul.f32 v43, v43  }
0xf2: {  	v34 =	vadd.f32 v34, v15;
	v47 =	vmul.f32 v47, v36;
	v48 =	vmul.f32 v48, v37;
	v57 =	vld [tilespmem:s17+$0xFFFFFFB0]  }
0xf3: {  	v58 =	vld [tilespmem:s1+$0xFFFFFFB0];
	v46 =	vadd.f32 v52, v46;
	v45 =	vadd.f32 v39, v45;
	v52 =	vmul.f32 v39, v39  }
0xf4: {  	v37 =	vadd.f32 v53, v51;
	v51 =	vmul.f32 v24, v22;
	v36 =	vadd.f32 v49, v55;
	v49 =	vld [tilespmem:s17+$0xFFFFFFC0];
	[tilespmem:s12+$0x30] =	vst v34  }
0xf5: {  	v50 =	vmul.f32 v50, v21;
	v24 =	vld [tilespmem:s1+$0xFFFFFFC0];
	v34 =	vadd.f32 v52, v46;
	v46 =	vperm.xlane v45, v0  }
0xf6: {  	v59 =	vmul.f32 v37, v37;
	v52 =	vld [tilespmem:s17+$0xFFFFFFD0];
	v53 =	vmul.f32 v36, v36;
	v55 =	vadd.f32 v37, v36  }
0xf7: {  	v22 =	vadd.f32 v26, v56;
	v26 =	vld [tilespmem:s1+$0xFFFFFFD0];
	v45 =	vadd.f32 v45, v46;
	v46 =	vperm.xlane v34, v0  }
0xf8: {  	v21 =	vadd.f32 v58, v57;
	v56 =	vld [tilespmem:s17+$0xFFFFFFE0];
	v53 =	vadd.f32 v59, v53;
	v57 =	vmul.f32 v25, v23  }
0xf9: {  	v55 =	vadd.f32 v22, v55;
	v25 =	vld [tilespmem:s1+$0xFFFFFFE0];
	v58 =	vperm.xlane v45, v1;
	v34 =	vadd.f32 v46, v34  }
0xfa: {  	v23 =	vadd.f32 v24, v49;
	v46 =	vld [tilespmem:s17+$0xFFFFFFF0];
	v49 =	vmul.f32 v22, v22;
	v59 =	vmul.f32 v21, v21  }
0xfb: {  	v55 =	vadd.f32 v21, v55;
	v60 =	vld [tilespmem:s1+$0xFFFFFFF0];
	v45 =	vadd.f32 v45, v58;
	v58 =	vperm.xlane v34, v1  }
0xfc: {  	v24 =	vadd.f32 v26, v52;
	v26 =	vadd.f32 v49, v53;
	v49 =	vmul.f32 v23, v23  }
0xfd: {  	v52 =	vadd.f32 v23, v55;
	v53 =	vperm.xlane v45, v2;
	v34 =	vadd.f32 v58, v34  }
0xfe: {  	v25 =	vadd.f32 v25, v56;
	v55 =	vadd.f32 v59, v26;
	v56 =	vmul.f32 v24, v24  }
0xff: {  	v52 =	vadd.f32 v24, v52;
	v45 =	vadd.f32 v45, v53;
	v53 =	vperm.xlane v34, v2  }
0x100: {  	v26 =	vadd.f32 v60, v46;
	v46 =	vadd.f32 v49, v55;
	v49 =	vmul.f32 v25, v25  }
0x101: {  	v52 =	vadd.f32 v25, v52;
	v55 =	vperm.xlane v45, v3;
	v34 =	vadd.f32 v53, v34  }
0x102: {  	v40 =	vmul.f32 v54, v40;
	v46 =	vadd.f32 v56, v46;
	v53 =	vmul.f32 v26, v26  }
0x103: {  	v52 =	vadd.f32 v26, v52;
	v45 =	vadd.f32 v45, v55;
	v54 =	vperm.xlane v34, v3  }
0x104: {  	v38 =	vmul.f32 v44, v38;
	v46 =	vadd.f32 v49, v46;
	v49 =	vmul.f32 v33, v35  }
0x105: {  	v33 =	vperm.xlane v52, v0;
	v34 =	vadd.f32 v54, v34;
	v44 =	vmul.f32 $7.812500000e-03, v45  }
0x106: {  	v45 =	vadd.f32 v53, v46;
	v46 =	vadd.f32 v47, v12  }
0x107: {  	v47 =	vadd.f32 v52, v33;
	v33 =	vmul.f32 $7.812500000e-03, v34;
	v34 =	vmul.f32 v44, v44  }
0x108: {  	v35 =	vsub.f32 v29, v44;
	v32 =	vsub.f32 v32, v44;
	v52 =	vperm.xlane v45, v0;
	[tilespmem:s12+$0xFFFFFF80] =	vst v46  }
0x109: {  	v29 =	vperm.xlane v47, v1;
	v46 =	vsub.f32 v33, v34;
	v33 =	vsub.f32 v27, v44  }
0x10a: {  	v34 =	vsub.f32 v28, v44;
	v45 =	vadd.f32 v52, v45  }
0x10b: {  	v47 =	vadd.f32 v47, v29;
	v28 =	vadd.f32 $9.999999960e-13, v46  }
0x10c: {  	v27 =	vsub.f32 v42, v44;
	v29 =	vsub.f32 v41, v44;
	v46 =	vperm.xlane v45, v1  }
0x10d: {  	v41 =	vperm.xlane v47, v2;
	v42 =	vshrl.u32 v28, $0x1;
	v52 =	vmul.f32 $5.000000000e-01, v28  }
0x10e: {  	v28 =	vsub.f32 v43, v44;
	v45 =	vadd.f32 v46, v45;
	v42 =	vsub.s32 $0x5F3759DF, v42  }
0x10f: {  	v41 =	vadd.f32 v47, v41;
	v46 =	vadd.f32 v48, v13;
	v43 =	vmul.f32 v42, v52  }
0x110: {  	v50 =	vadd.f32 v50, v15;
	v48 =	vadd.f32 v51, v14;
	v47 =	vperm.xlane v45, v2  }
0x111: {  	v51 =	vperm.xlane v41, v3;
	v43 =	vmul.f32 v42, v43;
	[tilespmem:s12+$0xFFFFFF90] =	vst v46;
	v46 =	vadd.f32 v57, v16  }
0x112: {  	v45 =	vadd.f32 v47, v45;
	[tilespmem:s12+$0xFFFFFFA0] =	vst v48;
	v47 =	vadd.f32 v40, v17  }
0x113: {  	v40 =	vadd.f32 v41, v51;
	v43 =	vsub.f32 $1.500000000e+00, v43;
	[tilespmem:s12+$0xFFFFFFB0] =	vst v50  }
0x114: {  	v38 =	vadd.f32 v38, v19;
	v48 =	vperm.xlane v45, v3;
	[tilespmem:s12+$0xFFFFFFC0] =	vst v46;
	v46 =	vadd.f32 v49, v18  }
.Ltmp1:
0x115: {  	v30 =	vadd.f32 v30, v16;
	v41 =	vmul.f32 $7.812500000e-03, v40;
	v40 =	vmul.f32 v42, v43;
	[tilespmem:s12+$0xFFFFFFD0] =	vst v47;
	(pc) =	sbr.rel @p1 .LBB2_5-.Ltmp1, $4  }
0x116: {  	v43 =	vadd.f32 v48, v45;
	[tilespmem:s12+$0xFFFFFFE0] =	vst v46;
	v45 =	vadd.f32 v31, v17  }
0x117: {  	v44 =	vsub.f32 v39, v44;
	v42 =	vmul.f32 v41, v41;
	v46 =	vmul.f32 v40, v11;
	[tilespmem:s12+$0xFFFFFFF0] =	vst v38  }
0x118: {  	v36 =	vsub.f32 v36, v41;
	v31 =	vmul.f32 v40, v4;
	v39 =	vmul.f32 $7.812500000e-03, v43;
	[tilespmem:s12+$0x40] =	vst v30  }
0x119: {  	s17 =	sadd.s32 $0x100, s17;
	v37 =	vsub.f32 v37, v41;
	v30 =	vmul.f32 v40, v5;
	v38 =	vmul.f32 v46, v44;
	[tilespmem:s12+$0x50] =	vst v45  }
0x11a: {  	v39 =	vsub.f32 v39, v42;
	_ =	sdelay $0x1  }
0x11b: {  	v39 =	vadd.f32 $9.999999960e-13, v39;
	_ =	sdelay $0x1  }
0x11c: {  	v63 =	vshrl.u32 v39, $0x1;
	v39 =	vmul.f32 $5.000000000e-01, v39  }
0x11d: {  	v42 =	vsub.s32 $0x5F3759DF, v63  }
0x11e: {  	v39 =	vmul.f32 v42, v39;
	_ =	sdelay $0x1  }
0x11f: {  	v39 =	vmul.f32 v42, v39  }
0x120: {  	v43 =	vmul.f32 v40, v6;
	v22 =	vsub.f32 v22, v41  }
0x121: {  	v44 =	vmul.f32 v40, v7;
	v21 =	vsub.f32 v21, v41;
	v39 =	vsub.f32 $1.500000000e+00, v39  }
0x122: {  	v23 =	vsub.f32 v23, v41;
	v31 =	vmul.f32 v31, v35;
	v24 =	vsub.f32 v24, v41  }
0x123: {  	v25 =	vsub.f32 v25, v41;
	v20 =	vadd.f32 v20, v18;
	v39 =	vmul.f32 v42, v39  }
0x124: {  	v26 =	vsub.f32 v26, v41;
	v30 =	vmul.f32 v30, v32;
	v31 =	vadd.f32 v31, v12  }
0x125: {  	s12 =	sadd.s32 $0x100, s12;
	v38 =	vadd.f32 v38, v19;
	v41 =	vmul.f32 v43, v33;
	[tilespmem:s15+$0x60] =	vst v20;
	v42 =	vmul.f32 v39, v4  }
0x126: {  	v34 =	vmul.f32 v44, v34;
	v30 =	vadd.f32 v30, v13;
	[tilespmem:s12+$0x0] =	vst v31;
	v31 =	vmul.f32 v39, v5  }
0x127: {  	[tilespmem:s12+$0x70] =	vst v38;
	v20 =	vadd.f32 v41, v14;
	v43 =	vmul.f32 v39, v6;
	v33 =	vmul.f32 v42, v36  }
0x128: {  	v34 =	vadd.f32 v34, v15;
	[tilespmem:s12+$0x10] =	vst v30;
	v30 =	vmul.f32 v39, v7;
	v31 =	vmul.f32 v31, v37  }
0x129: {  	[tilespmem:s12+$0x20] =	vst v20;
	v20 =	vmul.f32 v39, v8;
	v22 =	vmul.f32 v43, v22;
	v44 =	vadd.f32 v33, v12  }
0x12a: {  	[tilespmem:s12+$0x30] =	vst v34;
	v45 =	vmul.f32 v39, v9;
	v21 =	vmul.f32 v30, v21;
	v30 =	vadd.f32 v31, v13  }
0x12b: {  	v20 =	vmul.f32 v20, v23;
	v23 =	vmul.f32 v39, v11;
	v22 =	vadd.f32 v22, v14;
	[tilespmem:s12+$0xFFFFFF80] =	vst v44  }
0x12c: {  	v24 =	vmul.f32 v45, v24;
	v31 =	vmul.f32 v39, v10;
	v21 =	vadd.f32 v21, v15;
	[tilespmem:s12+$0xFFFFFF90] =	vst v30  }
0x12d: {  	v20 =	vadd.f32 v20, v16;
	v23 =	vmul.f32 v23, v26;
	v30 =	vmul.f32 v40, v8;
	[tilespmem:s12+$0xFFFFFFA0] =	vst v22  }
0x12e: {  	v24 =	vadd.f32 v24, v17;
	v25 =	vmul.f32 v31, v25;
	v22 =	vmul.f32 v40, v9;
	[tilespmem:s12+$0xFFFFFFB0] =	vst v21  }
0x12f: {  	v21 =	vmul.f32 v40, v10;
	[tilespmem:s12+$0xFFFFFFC0] =	vst v20;
	v23 =	vadd.f32 v23, v19;
	v26 =	vmul.f32 v30, v29  }
0x130: {  	[tilespmem:s12+$0xFFFFFFD0] =	vst v24;
	v20 =	vadd.f32 v25, v18;
	v22 =	vmul.f32 v22, v27  }
0x131: {  	v21 =	vmul.f32 v21, v28;
	[tilespmem:s12+$0xFFFFFFF0] =	vst v23;
	v24 =	vadd.f32 v26, v16  }
0x132: {  	[tilespmem:s12+$0xFFFFFFE0] =	vst v20;
	v20 =	vadd.f32 v22, v17  }
0x133: {  	p1 =	seq.s32 s6, $0x18;
	v21 =	vadd.f32 v21, v18;
	[tilespmem:s12+$0x40] =	vst v24  }
0x134: {  	s1 =	sshrl.u32 @!p1 s14, $0x2;
	[tilespmem:s12+$0x50] =	vst v20  }
0x135: {  	s14 =	simm.s32 @!p1 $0x80;
	s15 =	simm.s32 @!p1 $0x1C00;
	[tilespmem:s12+$0x60] =	vst v21;
	s12 =	sadd.s32 @!p1 $0x100, s1  }
0x136: {  	[tilespmem:s15], [sflag:$0x1] =	stream.indirect.gather @!p1 [hbm4b:s3+s14], $0x80, s12, s14, $0xb8;
	[tilespmem:$0x1BD80] =	vst v63  }
0x137: {  	s15 =	sadd.s32 s10, s0  }
0x138: {  	s12 =	sshll.u32 s15, $0x4  }
0x139: {  	s12 =	sadd.s32 s4, s12  }
0x13a: {  	[hbm4b:s12+s5] =	stream.linear.scatter [tilespmem:s21], [sflag:$0x3], $0x4000, $0x38;
	[tilespmem:$0x1BD80] =	vst v63  }
0x13b: {  	_ =	swait.ge [sflag:s22], $0x4000  }
0x13c: {  	[sflag:s22] =	ssyncset.done $0x0  }
0x13d: {  	s12 =	simm.s32 @!p0 $0x4;
	[sflag:s22] =	ssyncadd.s32 $0xFFFFC000  }
0x13e: {  	_ =	swait.ge @!p0 [sflag:s12], $0x4000  }
0x13f: {  	[sflag:s12] =	ssyncset.done @!p0 $0x0  }
0x140: {  	s16 =	simm.s32 $0x5C80;
	[sflag:s12] =	ssyncadd.s32 @!p0 $0xFFFFC000  }
0x141: {  	v20 =	vld [tilespmem:s16+$0x20]  }
0x142: {  	v21 =	vld [tilespmem:s16+$0x0]  }
0x143: {  	v22 =	vld [tilespmem:s2+$0xFFFFFF90]  }
0x144: {  	v23 =	vld [tilespmem:s16+$0x10]  }
0x145: {  	v24 =	vld [tilespmem:s2+$0xFFFFFFA0]  }
0x146: {  	v25 =	vld [tilespmem:s2+$0xFFFFFFB0]  }
0x147: {  	v26 =	vld [tilespmem:s16+$0x30]  }
0x148: {  	v27 =	vld [tilespmem:s2+$0xFFFFFFC0]  }
0x149: {  	v28 =	vld [tilespmem:s16+$0x40]  }
0x14a: {  	v46 =	vld [tilespmem:s16+$0x60]  }
0x14b: {  	v22 =	vadd.f32 v22, v21;
	v21 =	vld [tilespmem:s2+$0xFFFFFFD0]  }
0x14c: {  	v23 =	vadd.f32 v24, v23;
	v24 =	vld [tilespmem:s16+$0x50]  }
0x14d: {  	v20 =	vadd.f32 v25, v20;
	v25 =	vld [tilespmem:s2+$0xFFFFFFE0];
	v26 =	vadd.f32 v27, v26  }
0x14e: {  	v27 =	vld [tilespmem:s2+$0xFFFFFFF0];
	v29 =	vmul.f32 v22, v22;
	v30 =	vmul.f32 v23, v23;
	v31 =	vadd.f32 v23, v22  }
0x14f: {  	v47 =	vld [tilespmem:s16+$0x70]  }
0x150: {  	v48 =	vld [tilespmem:s2+$0xFFFFFF10];
	v29 =	vadd.f32 v30, v29;
	v30 =	vmul.f32 v20, v20;
	v31 =	vadd.f32 v20, v31  }
0x151: {  	v49 =	vld [tilespmem:s2+$0xFFFFFF20];
	v28 =	vadd.f32 v21, v28  }
0x152: {  	v21 =	vld [tilespmem:s2+$0x0];
	v29 =	vadd.f32 v30, v29;
	v30 =	vmul.f32 v26, v26;
	v31 =	vadd.f32 v26, v31  }
0x153: {  	v24 =	vadd.f32 v25, v24;
	v25 =	vld [tilespmem:s16+$0xFFFFFF90];
	v32 =	vadd.f32 v27, v46  }
0x154: {  	v27 =	vld [tilespmem:s16+$0xFFFFFF80];
	v29 =	vadd.f32 v30, v29;
	v30 =	vmul.f32 v28, v28;
	v31 =	vadd.f32 v28, v31  }
0x155: {  	v50 =	vld [tilespmem:s16+$0xFFFFFFA0]  }
0x156: {  	v51 =	vld [tilespmem:s2+$0xFFFFFF30];
	v29 =	vadd.f32 v30, v29;
	v30 =	vmul.f32 v24, v24;
	v31 =	vadd.f32 v24, v31  }
0x157: {  	v52 =	vld [tilespmem:s2+$0xFFFFFF40];
	v33 =	vadd.f32 v21, v47  }
0x158: {  	v53 =	vld [tilespmem:s2+$0xFFFFFF50];
	v29 =	vadd.f32 v30, v29;
	v30 =	vmul.f32 v32, v32;
	v21 =	vadd.f32 v32, v31  }
0x159: {  	v34 =	vadd.f32 v48, v27;
	v25 =	vadd.f32 v49, v25;
	v31 =	vld [tilespmem:s16+$0xFFFFFFB0]  }
0x15a: {  	v27 =	vld [tilespmem:s16+$0xFFFFFFC0];
	v29 =	vadd.f32 v30, v29;
	v21 =	vadd.f32 v33, v21;
	v30 =	vmul.f32 v33, v33  }
0x15b: {  	v54 =	vld [tilespmem:s16+$0xFFFFFFD0];
	v36 =	vadd.f32 v51, v50;
	v56 =	vadd.f32 v25, v34  }
0x15c: {  	v58 =	vld [tilespmem:s2+$0xFFFFFF60];
	v29 =	vadd.f32 v30, v29;
	v30 =	vperm.xlane v21, v0  }
0x15d: {  	v59 =	vld [tilespmem:s16+$0xFFFFFFE0];
	v55 =	vmul.f32 v34, v34;
	v57 =	vmul.f32 v25, v25;
	v41 =	vadd.f32 v36, v56  }
0x15e: {  	v60 =	vld [tilespmem:s2+$0xFFFFFF70];
	v31 =	vadd.f32 v52, v31;
	v21 =	vadd.f32 v21, v30;
	v30 =	vperm.xlane v29, v0  }
0x15f: {  	v61 =	vmul.f32 v36, v36;
	v40 =	vadd.f32 v57, v55;
	v35 =	vadd.f32 v53, v27  }
0x160: {  	v41 =	vadd.f32 v31, v41;
	v62 =	vperm.xlane v21, v1;
	v29 =	vadd.f32 v30, v29  }
0x161: {  	v45 =	vld [tilespmem:s2+$0xFFFFFF80];
	v37 =	vadd.f32 v58, v54;
	v40 =	vadd.f32 v61, v40;
	v30 =	vmul.f32 v31, v31  }
0x162: {  	v27 =	vld [tilespmem:s16+$0xFFFFFFF0];
	v41 =	vadd.f32 v35, v41;
	v21 =	vadd.f32 v21, v62;
	v63 =	vperm.xlane v29, v1  }
0x163: {  	v38 =	vadd.f32 v60, v59;
	v46 =	vmul.f32 v35, v35;
	v30 =	vadd.f32 v30, v40  }
0x164: {  	v41 =	vadd.f32 v37, v41;
	v47 =	vperm.xlane v21, v2;
	v29 =	vadd.f32 v63, v29  }
0x165: {  	v48 =	vmul.f32 v37, v37;
	v30 =	vadd.f32 v46, v30  }
0x166: {  	v41 =	vadd.f32 v38, v41;
	v49 =	vadd.f32 v21, v47;
	v50 =	vperm.xlane v29, v2  }
0x167: {  	v21 =	vadd.f32 v45, v27;
	v27 =	vmul.f32 v38, v38;
	v30 =	vadd.f32 v48, v30  }
0x168: {  	v51 =	vperm.xlane v49, v3;
	v29 =	vadd.f32 v50, v29  }
0x169: {  	v52 =	vmul.f32 v21, v21;
	v41 =	vadd.f32 v21, v41;
	v27 =	vadd.f32 v27, v30  }
0x16a: {  	v30 =	vadd.f32 v49, v51;
	v53 =	vperm.xlane v29, v3  }
0x16b: {  	v54 =	vperm.xlane v41, v0;
	v27 =	vadd.f32 v52, v27  }
0x16c: {  	v29 =	vadd.f32 v53, v29;
	v55 =	vmul.f32 $7.812500000e-03, v30  }
0x16d: {  	v30 =	vadd.f32 v41, v54;
	v40 =	vperm.xlane v27, v0  }
0x16e: {  	v29 =	vmul.f32 $7.812500000e-03, v29;
	v56 =	vmul.f32 v55, v55  }
0x16f: {  	v42 =	vperm.xlane v30, v1  }
0x170: {  	v27 =	vadd.f32 v40, v27;
	v29 =	vsub.f32 v29, v56  }
0x171: {  	v30 =	vadd.f32 v30, v42  }
0x172: {  	v40 =	vperm.xlane v27, v1;
	v29 =	vadd.f32 $9.999999960e-13, v29  }
0x173: {  	v57 =	vperm.xlane v30, v2  }
0x174: {  	v27 =	vadd.f32 v40, v27;
	v58 =	vshrl.u32 v29, $0x1;
	v29 =	vmul.f32 $5.000000000e-01, v29  }
0x175: {  	v30 =	vadd.f32 v30, v57;
	v40 =	vsub.s32 $0x5F3759DF, v58  }
0x176: {  	v59 =	vperm.xlane v27, v2;
	v29 =	vmul.f32 v40, v29  }
0x177: {  	v60 =	vperm.xlane v30, v3  }
0x178: {  	v27 =	vadd.f32 v59, v27;
	v29 =	vmul.f32 v40, v29  }
0x179: {  	v30 =	vadd.f32 v30, v60  }
0x17a: {  	v42 =	vsub.f32 v20, v55;
	v41 =	vperm.xlane v27, v3;
	v20 =	vsub.f32 $1.500000000e+00, v29  }
0x17b: {  	s17 =	simm.s32 $0x5D80;
	v22 =	vsub.f32 v22, v55;
	v23 =	vsub.f32 v23, v55;
	v43 =	vmul.f32 $7.812500000e-03, v30  }
0x17c: {  	v44 =	vld [tilespmem:s17+$0x0];
	v41 =	vadd.f32 v41, v27;
	v27 =	vmul.f32 v40, v20;
	v20 =	vsub.f32 v32, v55  }
0x17d: {  	s2 =	sadd.s32 $0x100, s2;
	v26 =	vsub.f32 v26, v55;
	v45 =	vsub.f32 v28, v55;
	v29 =	vld [tilespmem:s17+$0x20]  }
0x17e: {  	v33 =	vsub.f32 v33, v55;
	v30 =	vsub.f32 v24, v55;
	v24 =	vld [tilespmem:s2+$0xFFFFFF90];
	v28 =	vmul.f32 v43, v43;
	[tilespmem:$0x1FFE0] =	vst v20  }
0x17f: {  	v61 =	vmul.f32 $7.812500000e-03, v41;
	v46 =	vsub.f32 v34, v43;
	v25 =	vsub.f32 v25, v43;
	v40 =	vld [tilespmem:s17+$0x10]  }
0x180: {  	v52 =	vsub.f32 v36, v43;
	v54 =	vsub.f32 v31, v43;
	v63 =	vld [tilespmem:s2+$0xFFFFFFA0]  }
0x181: {  	v35 =	vsub.f32 v35, v43;
	v62 =	vmul.f32 v27, v11;
	v28 =	vsub.f32 v61, v28;
	v48 =	vld [tilespmem:s2+$0xFFFFFFB0]  }
0x182: {  	v56 =	vsub.f32 v37, v43;
	v59 =	vmul.f32 v27, v4;
	v47 =	vmul.f32 v27, v5;
	v50 =	vld [tilespmem:s17+$0x30]  }
0x183: {  	v49 =	vmul.f32 v27, v6;
	v51 =	vmul.f32 v27, v7;
	v60 =	vld [tilespmem:s2+$0xFFFFFFC0];
	v28 =	vadd.f32 $9.999999960e-13, v28  }
0x184: {  	v53 =	vmul.f32 v27, v8;
	v31 =	vld [tilespmem:s17+$0x40];
	v32 =	vadd.f32 v24, v44;
	v41 =	vmul.f32 v62, v33  }
0x185: {  	v37 =	vld [tilespmem:s2+$0xFFFFFFD0];
	v55 =	vmul.f32 v59, v22;
	v47 =	vmul.f32 v47, v23;
	v22 =	vshrl.u32 v28, $0x1  }
0x186: {  	v24 =	vld [tilespmem:s17+$0x50];
	v61 =	vmul.f32 $5.000000000e-01, v28;
	v28 =	vsub.f32 v38, v43;
	v33 =	vadd.f32 v63, v40  }
0x187: {  	v57 =	vld [tilespmem:s17+$0x60];
	v62 =	vmul.f32 v32, v32;
	v43 =	vsub.f32 v21, v43;
	v41 =	vadd.f32 v41, v19  }
0x188: {  	v23 =	vld [tilespmem:s2+$0xFFFFFFF0];
	v22 =	vsub.s32 $0x5F3759DF, v22;
	v29 =	vadd.f32 v48, v29;
	v63 =	vmul.f32 v33, v33  }
0x189: {  	v38 =	vld [tilespmem:s2+$0xFFFFFFE0];
	v55 =	vadd.f32 v55, v12;
	v39 =	vmul.f32 v22, v61;
	v44 =	vadd.f32 v33, v32  }
0x18a: {  	v34 =	vadd.f32 v60, v50;
	v48 =	vld [tilespmem:s17+$0x70];
	v61 =	vmul.f32 v29, v29;
	v59 =	vadd.f32 v63, v62  }
0x18b: {  	v50 =	vmul.f32 v51, v26;
	v51 =	vld [tilespmem:s2+$0xFFFFFF20];
	v60 =	vadd.f32 v29, v44;
	v62 =	vmul.f32 v22, v39  }
0x18c: {  	v40 =	vld [tilespmem:s17+$0xFFFFFFA0];
	v39 =	vadd.f32 v37, v31;
	v31 =	vadd.f32 v61, v59;
	v59 =	vmul.f32 v34, v34  }
0x18d: {  	v42 =	vmul.f32 v49, v42;
	v63 =	vld [tilespmem:s2+$0x0];
	v58 =	vadd.f32 v34, v60;
	v26 =	vsub.f32 $1.500000000e+00, v62  }
0x18e: {  	v49 =	vadd.f32 v38, v24;
	v44 =	vld [tilespmem:s2+$0xFFFFFF10];
	v61 =	vmul.f32 v39, v39;
	v60 =	vadd.f32 v59, v31  }
0x18f: {  	v36 =	vadd.f32 v39, v58;
	v31 =	vmul.f32 v53, v45;
	v45 =	vmul.f32 v22, v26;
	v22 =	vld [tilespmem:s17+$0xFFFFFF80]  }
0x190: {  	v47 =	vadd.f32 v47, v13;
	v24 =	vld [tilespmem:s17+$0xFFFFFF90];
	v53 =	vadd.f32 v23, v57  }
0x191: {  	v62 =	vmul.f32 v49, v49;
	v59 =	vld [tilespmem:s17+$0xFFFFFFB0];
	v23 =	vadd.f32 v61, v60;
	v26 =	vadd.f32 v49, v36  }
0x192: {  	v57 =	vmul.f32 v45, v4;
	v58 =	vmul.f32 v45, v5;
	v36 =	vadd.f32 v63, v48;
	v48 =	vld [tilespmem:s2+$0xFFFFFF30]  }
0x193: {  	v37 =	vmul.f32 v53, v53;
	v61 =	vld [tilespmem:s2+$0xFFFFFF40];
	v23 =	vadd.f32 v62, v23;
	v26 =	vadd.f32 v53, v26  }
0x194: {  	v21 =	vmul.f32 v45, v6;
	v63 =	vld [tilespmem:s17+$0xFFFFFFC0];
	v62 =	vmul.f32 v36, v36;
	v38 =	vadd.f32 v44, v22  }
0x195: {  	v44 =	vmul.f32 v58, v25;
	v25 =	vld [tilespmem:s17+$0xFFFFFFD0];
	v23 =	vadd.f32 v37, v23;
	v26 =	vadd.f32 v36, v26  }
0x196: {  	v60 =	vmul.f32 v45, v7;
	v46 =	vmul.f32 v57, v46;
	v58 =	vld [tilespmem:s2+$0xFFFFFF60];
	v37 =	vadd.f32 v51, v24  }
0x197: {  	v24 =	vld [tilespmem:s2+$0xFFFFFF50];
	v51 =	vmul.f32 v21, v52;
	v23 =	vadd.f32 v62, v23;
	v22 =	vperm.xlane v26, v0  }
0x198: {  	v52 =	vmul.f32 v38, v38;
	v57 =	vadd.f32 v37, v38;
	v62 =	vmul.f32 v37, v37  }
0x199: {  	v26 =	vadd.f32 v26, v22;
	v20 =	vperm.xlane v23, v0;
	v22 =	vadd.f32 v48, v40  }
0x19a: {  	v54 =	vmul.f32 v60, v54;
	v21 =	vadd.f32 v61, v59;
	v48 =	vadd.f32 v62, v52  }
0x19b: {  	v40 =	vld [tilespmem:s17+$0xFFFFFFE0];
	v59 =	vperm.xlane v26, v1;
	v20 =	vadd.f32 v20, v23;
	v57 =	vadd.f32 v22, v57  }
0x19c: {  	v52 =	vld [tilespmem:s2+$0xFFFFFF70];
	v23 =	vadd.f32 v24, v63;
	v61 =	vmul.f32 v22, v22;
	v24 =	vadd.f32 v58, v25  }
0x19d: {  	v60 =	vld [tilespmem:s17+$0xFFFFFFF0];
	v25 =	vmul.f32 v45, v8;
	v26 =	vadd.f32 v26, v59;
	v63 =	vperm.xlane v20, v1  }
0x19e: {  	v62 =	vld [tilespmem:s2+$0xFFFFFF80];
	v58 =	vmul.f32 v21, v21;
	v48 =	vadd.f32 v61, v48;
	v57 =	vadd.f32 v21, v57  }
0x19f: {  	v42 =	vadd.f32 v42, v14;
	v61 =	vmul.f32 v25, v35;
	v20 =	vadd.f32 v63, v20  }
0x1a0: {  	v59 =	vperm.xlane v26, v2;
	v35 =	vadd.f32 v58, v48;
	v48 =	vadd.f32 v23, v57  }
0x1a1: {  	v50 =	vadd.f32 v50, v15;
	v25 =	vadd.f32 v52, v40;
	v40 =	vmul.f32 v23, v23  }
0x1a2: {  	v52 =	vadd.f32 v26, v59;
	v63 =	vperm.xlane v20, v2;
	v48 =	vadd.f32 v24, v48  }
0x1a3: {  	v26 =	vadd.f32 v62, v60;
	v35 =	vadd.f32 v40, v35;
	v60 =	vmul.f32 v24, v24  }
0x1a4: {  	v20 =	vadd.f32 v63, v20;
	v62 =	vperm.xlane v52, v3;
	v48 =	vadd.f32 v25, v48  }
0x1a5: {  	v57 =	vmul.f32 v27, v9;
	v35 =	vadd.f32 v60, v35;
	v63 =	vmul.f32 v25, v25  }
0x1a6: {  	v52 =	vadd.f32 v52, v62;
	v60 =	vperm.xlane v20, v3;
	v48 =	vadd.f32 v26, v48  }
0x1a7: {  	v35 =	vadd.f32 v63, v35;
	v62 =	vmul.f32 v45, v9;
	v63 =	vmul.f32 v26, v26  }
0x1a8: {  	v20 =	vadd.f32 v60, v20;
	v52 =	vmul.f32 $7.812500000e-03, v52;
	v60 =	vperm.xlane v48, v0  }
0x1a9: {  	v59 =	vmul.f32 v27, v10;
	v40 =	vmul.f32 v62, v56;
	v58 =	vadd.f32 v63, v35  }
0x1aa: {  	v20 =	vmul.f32 $7.812500000e-03, v20;
	v62 =	vmul.f32 v52, v52;
	v27 =	vadd.f32 v48, v60  }
0x1ab: {  	v46 =	vadd.f32 v46, v12;
	v44 =	vadd.f32 v44, v13;
	v63 =	vperm.xlane v58, v0  }
0x1ac: {  	s12 =	simm.s32 $0xDC80;
	v35 =	vsub.f32 v32, v52;
	v20 =	vsub.f32 v20, v62;
	v62 =	vperm.xlane v27, v1  }
0x1ad: {  	[tilespmem:s12+$0x70] =	vst v41;
	v60 =	vmul.f32 v45, v10;
	v32 =	vsub.f32 v33, v52;
	v48 =	vadd.f32 v63, v58  }
0x1ae: {  	[tilespmem:s12+$0x0] =	vst v55;
	v45 =	vmul.f32 v45, v11;
	v63 =	vadd.f32 v27, v62;
	v20 =	vadd.f32 $9.999999960e-13, v20  }
0x1af: {  	[tilespmem:s12+$0x10] =	vst v47;
	v33 =	vsub.f32 v29, v52;
	v41 =	vmul.f32 v60, v28;
	v28 =	vperm.xlane v48, v1  }
0x1b0: {  	[tilespmem:s12+$0x20] =	vst v42;
	v55 =	vperm.xlane v63, v2;
	v58 =	vshrl.u32 v20, $0x1;
	v20 =	vmul.f32 $5.000000000e-01, v20  }
0x1b1: {  	[tilespmem:s12+$0x30] =	vst v50;
	v29 =	vsub.f32 v39, v52;
	v60 =	vadd.f32 v28, v48;
	v47 =	vsub.s32 $0x5F3759DF, v58  }
0x1b2: {  	[tilespmem:s12+$0xFFFFFF80] =	vst v46;
	v56 =	vadd.f32 v40, v17;
	v39 =	vadd.f32 v63, v55;
	v20 =	vmul.f32 v47, v20  }
0x1b3: {  	[tilespmem:s12+$0xFFFFFF90] =	vst v44;
	v28 =	vsub.f32 v53, v52;
	v53 =	vadd.f32 v54, v15;
	v62 =	vperm.xlane v60, v2  }
0x1b4: {  	[tilespmem:s12+$0xFFFFFFD0] =	vst v56;
	v63 =	vadd.f32 v51, v14;
	v54 =	vperm.xlane v39, v3;
	v20 =	vmul.f32 v47, v20  }
0x1b5: {  	v43 =	vmul.f32 v45, v43;
	v55 =	vadd.f32 v61, v16;
	[tilespmem:s12+$0xFFFFFFB0] =	vst v53;
	v42 =	vadd.f32 v62, v60  }
0x1b6: {  	v30 =	vmul.f32 v57, v30;
	[tilespmem:s12+$0xFFFFFFA0] =	vst v63;
	v39 =	vadd.f32 v39, v54;
	v20 =	vsub.f32 $1.500000000e+00, v20  }
0x1b7: {  	v34 =	vsub.f32 v34, v52;
	v43 =	vadd.f32 v43, v19;
	[tilespmem:s12+$0xFFFFFFC0] =	vst v55;
	v46 =	vperm.xlane v42, v3  }
0x1b8: {  	v58 =	vadd.f32 v41, v18;
	v41 =	vmul.f32 $7.812500000e-03, v39;
	v40 =	vmul.f32 v47, v20;
	v20 =	vld [tilespmem:$0x1FFE0]  }
0x1b9: {  	v60 =	vadd.f32 v31, v16;
	v31 =	vadd.f32 v46, v42  }
0x1ba: {  	v27 =	vsub.f32 v49, v52;
	v61 =	vadd.f32 v30, v17;
	[tilespmem:s12+$0xFFFFFFE0] =	vst v58;
	v42 =	vmul.f32 v41, v41  }
0x1bb: {  	v63 =	vsub.f32 v36, v52;
	[tilespmem:s12+$0xFFFFFFF0] =	vst v43;
	v62 =	vmul.f32 v40, v11;
	v39 =	vmul.f32 $7.812500000e-03, v31  }
0x1bc: {  	s0 =	sor.u32 $0x80, s0;
	[tilespmem:s12+$0x40] =	vst v60;
	v36 =	vsub.f32 v38, v41;
	v31 =	vmul.f32 v40, v4;
	v30 =	vmul.f32 v40, v5  }
0x1bd: {  	s14 =	simm.s32 $0xDC80;
	s15 =	simm.s32 $0x2;
	s16 =	simm.s32 $0x5E80;
	[tilespmem:s12+$0x50] =	vst v61;
	v37 =	vsub.f32 v37, v41;
	v38 =	vmul.f32 v62, v63;
	v20 =	vmul.f32 v59, v20  }
.LBB2_7:
0x1be: {  	v43 =	vld [tilespmem:s16+$0x20];
	v39 =	vsub.f32 v39, v42;
	v42 =	vmul.f32 v40, v6;
	v44 =	vmul.f32 v40, v7  }
0x1bf: {  	v46 =	vmul.f32 v40, v8;
	v47 =	vmul.f32 v40, v9;
	s2 =	sadd.s32 $0x100, s2;
	v45 =	vld [tilespmem:s16+$0x0];
	v38 =	vadd.f32 v38, v19  }
0x1c0: {  	v22 =	vsub.f32 v22, v41;
	v49 =	vmul.f32 v40, v10;
	s12 =	sadd.s32 $0x100, s12;
	v48 =	vld [tilespmem:s2+$0xFFFFFF90];
	v39 =	vadd.f32 $9.999999960e-13, v39  }
0x1c1: {  	v21 =	vsub.f32 v21, v41;
	v23 =	vsub.f32 v23, v41;
	v31 =	vmul.f32 v31, v35;
	v50 =	vld [tilespmem:s16+$0x10];
	[tilespmem:s12+$0x70] =	vst v38  }
0x1c2: {  	s15 =	sadd.s32 $0x2, s15;
	v40 =	vsub.f32 v24, v41;
	v51 =	vld [tilespmem:s2+$0xFFFFFFA0];
	v35 =	vshrl.u32 v39, $0x1;
	v39 =	vmul.f32 $5.000000000e-01, v39  }
0x1c3: {  	p0 =	slt.u32 s15, $0x7E;
	v38 =	vsub.f32 v26, v41;
	v24 =	vld [tilespmem:s2+$0xFFFFFFB0];
	v52 =	vsub.s32 $0x5F3759DF, v35;
	v35 =	vsub.f32 v25, v41  }
0x1c4: {  	v30 =	vmul.f32 v30, v32;
	v31 =	vadd.f32 v31, v12;
	v25 =	vld [tilespmem:s16+$0x30];
	v26 =	vmul.f32 v52, v39  }
0x1c5: {  	v20 =	vadd.f32 v20, v18;
	v33 =	vmul.f32 v42, v33;
	v34 =	vmul.f32 v44, v34;
	v39 =	vld [tilespmem:s2+$0xFFFFFFC0]  }
0x1c6: {  	v42 =	vadd.f32 v30, v13;
	v30 =	vmul.f32 v46, v29;
	v41 =	vld [tilespmem:s16+$0x40];
	v26 =	vmul.f32 v52, v26;
	[tilespmem:s12+$0x0] =	vst v31  }
0x1c7: {  	v29 =	vadd.f32 v48, v45;
	v31 =	vmul.f32 v47, v27;
	v32 =	vadd.f32 v51, v50;
	v44 =	vld [tilespmem:s2+$0xFFFFFFD0];
	[tilespmem:s14+$0x60] =	vst v20;
	s14 =	smov.u32 s12  }
0x1c8: {  	v20 =	vmul.f32 v49, v28;
	v27 =	vadd.f32 v24, v43;
	v24 =	vld [tilespmem:s16+$0x50];
	v26 =	vsub.f32 $1.500000000e+00, v26;
	[tilespmem:s12+$0x10] =	vst v42  }
0x1c9: {  	v43 =	vmul.f32 v29, v29;
	v42 =	vld [tilespmem:s2+$0xFFFFFFE0];
	v45 =	vadd.f32 v32, v29;
	v46 =	vmul.f32 v32, v32  }
0x1ca: {  	v33 =	vadd.f32 v33, v14;
	v28 =	vadd.f32 v39, v25;
	v25 =	vld [tilespmem:s16+$0x60];
	v26 =	vmul.f32 v52, v26  }
0x1cb: {  	v39 =	vld [tilespmem:s2+$0xFFFFFFF0];
	v43 =	vadd.f32 v46, v43;
	v45 =	vadd.f32 v27, v45;
	v46 =	vmul.f32 v27, v27  }
0x1cc: {  	v41 =	vadd.f32 v44, v41;
	v44 =	vld [tilespmem:s16+$0x70];
	v47 =	vmul.f32 v26, v4;
	v48 =	vmul.f32 v26, v5;
	[tilespmem:s12+$0x20] =	vst v33  }
0x1cd: {  	v33 =	vld [tilespmem:s2+$0x0];
	v43 =	vadd.f32 v46, v43;
	v45 =	vadd.f32 v28, v45;
	v46 =	vmul.f32 v28, v28  }
0x1ce: {  	v50 =	vmul.f32 v26, v7;
	v49 =	vld [tilespmem:s2+$0xFFFFFF10];
	v42 =	vadd.f32 v42, v24;
	v24 =	vmul.f32 v26, v6  }
0x1cf: {  	v52 =	vmul.f32 v41, v41;
	v51 =	vld [tilespmem:s16+$0xFFFFFF90];
	v46 =	vadd.f32 v46, v43;
	v45 =	vadd.f32 v41, v45  }
0x1d0: {  	v54 =	vmul.f32 v26, v9;
	v53 =	vld [tilespmem:s2+$0xFFFFFF20];
	v43 =	vadd.f32 v39, v25;
	v25 =	vmul.f32 v26, v8  }
0x1d1: {  	v55 =	vld [tilespmem:s16+$0xFFFFFF80];
	v46 =	vadd.f32 v52, v46;
	v45 =	vadd.f32 v42, v45;
	v52 =	vmul.f32 v42, v42  }
0x1d2: {  	v56 =	vld [tilespmem:s16+$0xFFFFFFA0];
	v39 =	vadd.f32 v33, v44;
	v33 =	vmul.f32 v26, v10;
	v44 =	vmul.f32 v26, v11  }
0x1d3: {  	v26 =	vld [tilespmem:s2+$0xFFFFFF30];
	v46 =	vadd.f32 v52, v46;
	v45 =	vadd.f32 v43, v45;
	v52 =	vmul.f32 v43, v43  }
0x1d4: {  	v34 =	vadd.f32 v34, v15;
	v47 =	vmul.f32 v47, v36;
	v48 =	vmul.f32 v48, v37;
	v57 =	vld [tilespmem:s16+$0xFFFFFFB0]  }
0x1d5: {  	v58 =	vld [tilespmem:s2+$0xFFFFFF40];
	v46 =	vadd.f32 v52, v46;
	v45 =	vadd.f32 v39, v45;
	v52 =	vmul.f32 v39, v39  }
0x1d6: {  	v37 =	vadd.f32 v53, v51;
	v51 =	vmul.f32 v24, v22;
	v36 =	vadd.f32 v49, v55;
	v49 =	vld [tilespmem:s16+$0xFFFFFFC0];
	[tilespmem:s12+$0x30] =	vst v34  }
0x1d7: {  	v50 =	vmul.f32 v50, v21;
	v24 =	vld [tilespmem:s2+$0xFFFFFF50];
	v34 =	vadd.f32 v52, v46;
	v46 =	vperm.xlane v45, v0  }
0x1d8: {  	v59 =	vmul.f32 v37, v37;
	v52 =	vld [tilespmem:s16+$0xFFFFFFD0];
	v53 =	vmul.f32 v36, v36;
	v55 =	vadd.f32 v37, v36  }
0x1d9: {  	v22 =	vadd.f32 v26, v56;
	v26 =	vld [tilespmem:s2+$0xFFFFFF60];
	v45 =	vadd.f32 v45, v46;
	v46 =	vperm.xlane v34, v0  }
0x1da: {  	v21 =	vadd.f32 v58, v57;
	v56 =	vld [tilespmem:s16+$0xFFFFFFE0];
	v53 =	vadd.f32 v59, v53;
	v57 =	vmul.f32 v25, v23  }
0x1db: {  	v55 =	vadd.f32 v22, v55;
	v25 =	vld [tilespmem:s2+$0xFFFFFF70];
	v58 =	vperm.xlane v45, v1;
	v34 =	vadd.f32 v46, v34  }
0x1dc: {  	v23 =	vadd.f32 v24, v49;
	v46 =	vld [tilespmem:s16+$0xFFFFFFF0];
	v49 =	vmul.f32 v22, v22;
	v59 =	vmul.f32 v21, v21  }
0x1dd: {  	v55 =	vadd.f32 v21, v55;
	v60 =	vld [tilespmem:s2+$0xFFFFFF80];
	v45 =	vadd.f32 v45, v58;
	v58 =	vperm.xlane v34, v1  }
0x1de: {  	v24 =	vadd.f32 v26, v52;
	v26 =	vadd.f32 v49, v53;
	v49 =	vmul.f32 v23, v23  }
0x1df: {  	v52 =	vadd.f32 v23, v55;
	v53 =	vperm.xlane v45, v2;
	v34 =	vadd.f32 v58, v34  }
0x1e0: {  	v25 =	vadd.f32 v25, v56;
	v55 =	vadd.f32 v59, v26;
	v56 =	vmul.f32 v24, v24  }
0x1e1: {  	v52 =	vadd.f32 v24, v52;
	v45 =	vadd.f32 v45, v53;
	v53 =	vperm.xlane v34, v2  }
0x1e2: {  	v26 =	vadd.f32 v60, v46;
	v46 =	vadd.f32 v49, v55;
	v49 =	vmul.f32 v25, v25  }
0x1e3: {  	v52 =	vadd.f32 v25, v52;
	v55 =	vperm.xlane v45, v3;
	v34 =	vadd.f32 v53, v34  }
0x1e4: {  	v40 =	vmul.f32 v54, v40;
	v46 =	vadd.f32 v56, v46;
	v53 =	vmul.f32 v26, v26  }
0x1e5: {  	v52 =	vadd.f32 v26, v52;
	v45 =	vadd.f32 v45, v55;
	v54 =	vperm.xlane v34, v3  }
0x1e6: {  	v38 =	vmul.f32 v44, v38;
	v46 =	vadd.f32 v49, v46;
	v49 =	vmul.f32 v33, v35  }
0x1e7: {  	v33 =	vperm.xlane v52, v0;
	v34 =	vadd.f32 v54, v34;
	v44 =	vmul.f32 $7.812500000e-03, v45  }
0x1e8: {  	v45 =	vadd.f32 v53, v46;
	v46 =	vadd.f32 v47, v12  }
0x1e9: {  	v47 =	vadd.f32 v52, v33;
	v33 =	vmul.f32 $7.812500000e-03, v34;
	v34 =	vmul.f32 v44, v44  }
0x1ea: {  	v35 =	vsub.f32 v29, v44;
	v32 =	vsub.f32 v32, v44;
	v52 =	vperm.xlane v45, v0;
	[tilespmem:s12+$0xFFFFFF80] =	vst v46  }
0x1eb: {  	v29 =	vperm.xlane v47, v1;
	v46 =	vsub.f32 v33, v34;
	v33 =	vsub.f32 v27, v44  }
0x1ec: {  	v34 =	vsub.f32 v28, v44;
	v45 =	vadd.f32 v52, v45  }
0x1ed: {  	v47 =	vadd.f32 v47, v29;
	v28 =	vadd.f32 $9.999999960e-13, v46  }
0x1ee: {  	v27 =	vsub.f32 v42, v44;
	v29 =	vsub.f32 v41, v44;
	v46 =	vperm.xlane v45, v1  }
0x1ef: {  	v41 =	vperm.xlane v47, v2;
	v42 =	vshrl.u32 v28, $0x1;
	v52 =	vmul.f32 $5.000000000e-01, v28  }
0x1f0: {  	v28 =	vsub.f32 v43, v44;
	v45 =	vadd.f32 v46, v45;
	v42 =	vsub.s32 $0x5F3759DF, v42  }
0x1f1: {  	v41 =	vadd.f32 v47, v41;
	v46 =	vadd.f32 v48, v13;
	v43 =	vmul.f32 v42, v52  }
0x1f2: {  	v50 =	vadd.f32 v50, v15;
	v48 =	vadd.f32 v51, v14;
	v47 =	vperm.xlane v45, v2  }
0x1f3: {  	v51 =	vperm.xlane v41, v3;
	v43 =	vmul.f32 v42, v43;
	[tilespmem:s12+$0xFFFFFF90] =	vst v46;
	v46 =	vadd.f32 v57, v16  }
0x1f4: {  	v45 =	vadd.f32 v47, v45;
	[tilespmem:s12+$0xFFFFFFA0] =	vst v48;
	v47 =	vadd.f32 v40, v17  }
0x1f5: {  	v40 =	vadd.f32 v41, v51;
	v43 =	vsub.f32 $1.500000000e+00, v43;
	[tilespmem:s12+$0xFFFFFFB0] =	vst v50  }
0x1f6: {  	v38 =	vadd.f32 v38, v19;
	v48 =	vperm.xlane v45, v3;
	[tilespmem:s12+$0xFFFFFFC0] =	vst v46;
	v46 =	vadd.f32 v49, v18  }
.Ltmp2:
0x1f7: {  	v30 =	vadd.f32 v30, v16;
	v41 =	vmul.f32 $7.812500000e-03, v40;
	v40 =	vmul.f32 v42, v43;
	[tilespmem:s12+$0xFFFFFFD0] =	vst v47;
	(pc) =	sbr.rel @p0 .LBB2_7-.Ltmp2, $4  }
0x1f8: {  	v43 =	vadd.f32 v48, v45;
	[tilespmem:s12+$0xFFFFFFE0] =	vst v46;
	v45 =	vadd.f32 v31, v17  }
0x1f9: {  	v44 =	vsub.f32 v39, v44;
	v42 =	vmul.f32 v41, v41;
	v46 =	vmul.f32 v40, v11;
	[tilespmem:s12+$0xFFFFFFF0] =	vst v38  }
0x1fa: {  	v36 =	vsub.f32 v36, v41;
	v31 =	vmul.f32 v40, v4;
	v39 =	vmul.f32 $7.812500000e-03, v43;
	[tilespmem:s12+$0x40] =	vst v30  }
0x1fb: {  	s16 =	sadd.s32 $0x100, s16;
	v37 =	vsub.f32 v37, v41;
	v30 =	vmul.f32 v40, v5;
	v38 =	vmul.f32 v46, v44;
	[tilespmem:s12+$0x50] =	vst v45  }
0x1fc: {  	v39 =	vsub.f32 v39, v42;
	_ =	sdelay $0x1  }
0x1fd: {  	v39 =	vadd.f32 $9.999999960e-13, v39;
	_ =	sdelay $0x1  }
0x1fe: {  	v47 =	vshrl.u32 v39, $0x1;
	v39 =	vmul.f32 $5.000000000e-01, v39  }
0x1ff: {  	v42 =	vsub.s32 $0x5F3759DF, v47  }
0x200: {  	v39 =	vmul.f32 v42, v39;
	_ =	sdelay $0x1  }
0x201: {  	v22 =	vsub.f32 v22, v41;
	v21 =	vsub.f32 v21, v41;
	v39 =	vmul.f32 v42, v39  }
0x202: {  	v43 =	vmul.f32 v40, v6;
	v23 =	vsub.f32 v23, v41;
	v24 =	vsub.f32 v24, v41  }
0x203: {  	v44 =	vmul.f32 v40, v7;
	v25 =	vsub.f32 v25, v41;
	v39 =	vsub.f32 $1.500000000e+00, v39  }
0x204: {  	v31 =	vmul.f32 v31, v35;
	v26 =	vsub.f32 v26, v41;
	v20 =	vadd.f32 v20, v18  }
0x205: {  	v38 =	vadd.f32 v38, v19;
	v30 =	vmul.f32 v30, v32;
	v48 =	vmul.f32 v42, v39  }
0x206: {  	s2 =	sadd.s32 $0x100, s12;
	v59 =	vmul.f32 v40, v8;
	v31 =	vadd.f32 v31, v12;
	v49 =	vmul.f32 v43, v33;
	[tilespmem:s14+$0x60] =	vst v20  }
0x207: {  	v34 =	vmul.f32 v44, v34;
	[tilespmem:s2+$0x70] =	vst v38;
	v30 =	vadd.f32 v30, v13;
	v50 =	vmul.f32 v48, v4  }
0x208: {  	v62 =	vmul.f32 v59, v29;
	[tilespmem:s2+$0x0] =	vst v31;
	v20 =	vadd.f32 v49, v14;
	v51 =	vmul.f32 v48, v5  }
0x209: {  	v34 =	vadd.f32 v34, v15;
	[tilespmem:s2+$0x10] =	vst v30;
	v52 =	vmul.f32 v48, v6;
	v33 =	vmul.f32 v50, v36  }
0x20a: {  	v63 =	vadd.f32 v62, v16;
	[tilespmem:s2+$0x20] =	vst v20;
	v53 =	vmul.f32 v48, v7;
	v31 =	vmul.f32 v51, v37  }
0x20b: {  	[tilespmem:s2+$0x30] =	vst v34;
	v20 =	vmul.f32 v48, v8;
	v22 =	vmul.f32 v52, v22;
	v54 =	vadd.f32 v33, v12  }
0x20c: {  	[tilespmem:s2+$0x40] =	vst v63;
	v55 =	vmul.f32 v48, v9;
	v21 =	vmul.f32 v53, v21;
	v56 =	vadd.f32 v31, v13  }
0x20d: {  	v57 =	vmul.f32 v48, v10;
	v20 =	vmul.f32 v20, v23;
	v22 =	vadd.f32 v22, v14;
	[tilespmem:s2+$0xFFFFFF80] =	vst v54  }
0x20e: {  	v58 =	vmul.f32 v48, v11;
	v24 =	vmul.f32 v55, v24;
	v21 =	vadd.f32 v21, v15;
	[tilespmem:s2+$0xFFFFFF90] =	vst v56  }
0x20f: {  	v60 =	vmul.f32 v40, v9;
	v25 =	vmul.f32 v57, v25;
	v20 =	vadd.f32 v20, v16;
	[tilespmem:s2+$0xFFFFFFA0] =	vst v22  }
0x210: {  	v61 =	vmul.f32 v40, v10;
	v23 =	vmul.f32 v58, v26;
	v24 =	vadd.f32 v24, v17;
	[tilespmem:s2+$0xFFFFFFB0] =	vst v21  }
0x211: {  	[tilespmem:s2+$0xFFFFFFC0] =	vst v20;
	v20 =	vadd.f32 v25, v18;
	v22 =	vmul.f32 v60, v27  }
0x212: {  	v23 =	vadd.f32 v23, v19;
	[tilespmem:s2+$0xFFFFFFD0] =	vst v24;
	v21 =	vmul.f32 v61, v28  }
0x213: {  	s6 =	sadd.s32 $0x1, s6;
	[tilespmem:s2+$0xFFFFFFE0] =	vst v20;
	v20 =	vadd.f32 v22, v17  }
0x214: {  	s1 =	sadd.s32 @!p1 $0x180, s1;
	s12 =	simm.s32 @!p1 $0x5C00;
	p0 =	sne.s32 s6, $0x19;
	[tilespmem:s2+$0xFFFFFFF0] =	vst v23;
	v21 =	vadd.f32 v21, v18  }
.Ltmp3:
0x215: {  	s0 =	sadd.s32 s10, s0;
	s30 =	sadd.s32 $0x8000, s30;
	[tilespmem:s2+$0x50] =	vst v20;
	(pc) =	sbr.rel @p0 .LBB2_4-.Ltmp3, $4  }
0x216: {  	s29 =	sadd.s32 $0x100, s29;
	s0 =	sshll.u32 s0, $0x4;
	[tilespmem:s2+$0x60] =	vst v21;
	s2 =	simm.s32 @!p1 $0x80  }
0x217: {  	[tilespmem:s12], [sflag:$0x2] =	stream.indirect.gather @!p1 [hbm4b:s3+s2], $0x80, s1, s2, $0xb8;
	[tilespmem:$0x1BD80] =	vst v63  }
0x218: {  	s31 =	sadd.s32 $0x8000, s31;
	s28 =	sadd.s32 $0x100, s28;
	s0 =	sadd.s32 s4, s0  }
0x219: {  	[hbm4b:s0+s5] =	stream.linear.scatter [tilespmem:s23], [sflag:$0x4], $0x4000, $0x38;
	[tilespmem:$0x1BD80] =	vst v63  }
0x21a: {  	s26 =	sadd.s32 $0x1, s26  }
0x21b: {  	_ =	swait.ge [sflag:s24], $0x4000;
	p0 =	sne.s32 s26, s11  }
.Ltmp4:
0x21c: {  	[sflag:s24] =	ssyncset.done $0x0;
	(pc) =	sbr.rel @p0 .LBB2_1-.Ltmp4, $4  }
0x21d: {  	[sflag:s24] =	ssyncadd.s32 $0xFFFFC000  }
0x21e: {  	_ =	swait.ge [sflag:s25], $0x4000  }
0x21f: {  	[sflag:s25] =	ssyncset.done $0x0  }
0x220: {  	[sflag:s25] =	ssyncadd.s32 $0xFFFFC000  }
0x221: {  	_ =	sfence.sel $0x180000  }
0x222: {  	[bflag:$0x0] =	sbarrier.arrive $0xFFFF  }
0x223: {  	_ =	strace $0x90000047  }
0x224: {  	s0 =	stileid.u32;
	[bflag:$0x2] =	sbarrier.arrive $0xFFFF  }
0x225: {  	p0 =	sne.s32 s0, $0x0;
	s0 =	rddreg [dreg:$0x5]  }
0x226: {  	s0 =	sadd.s32 @!p0 $0x100000, s0  }
0x227: {  	[sflag:s0] =	ssyncadd.tile.s32 @!p0 $0x1;
	_ =	shalt  }
.Lfunc_end2:
_tile_overlayer_lowered:
.L_overlay_start_2:
0x228: {  	(tag) =	ssettag $0x2  }
0x229: {  	s0 =	rddreg [dreg:$0x0];
	s2 =	stileid.u32  }
0x22a: {  	s1 =	rddreg [dreg:$0x1];
	p0 =	sne.s32 s2, $0x0  }
0x22b: {  	s3 =	rddreg [dreg:$0x2];
	[bflag:$0x3] =	sbarrier.arrive $0xFFFF;
	s2 =	simm.s32 @!p0 $0x1C05  }
0x22c: {  	[timem:s3], [sflag:s2] =	dma.local @!p0 [hbm:s0], s1  }
0x22d: {  	s0 =	simm.s32 @!p0 $0x5  }
0x22e: {  	_ =	swait.ge @!p0 [sflag:s0], s1  }
0x22f: {  	s1 =	ssub.s32 @!p0 $0x0, s1;
	[sflag:s0] =	ssyncset.done @!p0 $0x0  }
0x230: {  	[sflag:s0] =	ssyncadd.s32 @!p0 s1  }
0x231: {  	[bflag:$0x3] =	sbarrier.arrive $0xFFFF  }
0x232: {  	_ =	shalt  }

</sc_bundles>
